<compile_context>
chip_gen: v7x
topology: tpu7x:2x2x1
jax: 0.10.2.dev20260603
libtpu: 0.0.44.dev20260713+nightly
codegen_flags: <defaults>
</compile_context>

<pallas_src>
import functools

import jax
import jax.numpy as jnp
from jax import lax
from jax.experimental import pallas as pl
from jax.experimental.pallas import tpu as pltpu
from jax.experimental.pallas import tpu_sc as plsc

_B, _C, _W, _H = 8, 96, 224, 224
_N = 4096
_M = 8
_CG = 4
_CPG = _C // _CG
_EPS = 1e-7
_MARGIN = 0.5


def _unpack_xy(w16):
  return lax.shift_right_logical(w16, 8) & 0xFF, w16 & 0xFF


def _sc_accumulate(out_1, out_2, i1p, i2p, innp):
  mesh = plsc.VectorSubcoreMesh(core_axis_name="c", subcore_axis_name="s")

  @functools.partial(
      pl.kernel,
      mesh=mesh,
      compiler_params=pltpu.CompilerParams(
          use_tc_tiling_on_sc=True,
          needs_layout_passes=False,
      ),
      out_type=[
          jax.ShapeDtypeStruct((_CG, _B, _N), jnp.float32),
          jax.ShapeDtypeStruct((_CG, _B, _M * _N), jnp.float32),
      ],
      scratch_types=[
          pltpu.VMEM((_W, _H), jnp.float32),
          pltpu.VMEM((_N,), jnp.int32),
          pltpu.VMEM((_N,), jnp.int32),
          pltpu.VMEM((_M // 2 * _N,), jnp.int32),
          pltpu.VMEM((_N,), jnp.float32),
          pltpu.VMEM((_N,), jnp.float32),
          pltpu.VMEM((_M * _N,), jnp.float32),
      ],
  )
  def k(o1_hbm, o2_hbm, i1_hbm, i2_hbm, innp_hbm, accp_hbm, accn_hbm,
        plane_v, i1_v, i2_v, innp_v, v1_v, ap_v, an_v):
    wid = lax.axis_index("s") * 2 + lax.axis_index("c")
    b = wid // _CG
    cg = wid % _CG
    c0 = cg * _CPG

    pltpu.sync_copy(i1_hbm.at[b], i1_v)
    pltpu.sync_copy(i2_hbm.at[b], i2_v)
    pltpu.sync_copy(innp_hbm.at[b], innp_v)

    zeros = jnp.zeros((16,), jnp.float32)

    @plsc.parallel_loop(0, _N // 16, unroll=8)
    def zero_p(i):
      ap_v[pl.ds(i * 16, 16)] = zeros

    @plsc.parallel_loop(0, _M * _N // 16, unroll=8)
    def zero_n(i):
      an_v[pl.ds(i * 16, 16)] = zeros

    def channel(kk, _):
      c = c0 + kk
      pltpu.sync_copy(o1_hbm.at[b, c], plane_v)

      @plsc.parallel_loop(0, _N // 16, unroll=4)
      def g1(t):
        off = t * 16
        x, y = _unpack_xy(i1_v[pl.ds(off, 16)])
        v1_v[pl.ds(off, 16)] = plsc.load_gather(plane_v, [x, y])

      pltpu.sync_copy(o2_hbm.at[b, c], plane_v)

      @plsc.parallel_loop(0, _N // 16, unroll=4)
      def g(t):
        off = t * 16
        v1 = v1_v[pl.ds(off, 16)]
        x2, y2 = _unpack_xy(i2_v[pl.ds(off, 16)])
        d = v1 - plsc.load_gather(plane_v, [x2, y2])
        plsc.addupdate(ap_v.at[pl.ds(off, 16)], d * d)
        for q in range(_M // 2):
          w = innp_v[pl.ds(q * _N + off, 16)]
          xl, yl = _unpack_xy(w)
          dlo = v1 - plsc.load_gather(plane_v, [xl, yl])
          wh = lax.shift_right_logical(w, 16)
          xh, yh = _unpack_xy(wh)
          dhi = v1 - plsc.load_gather(plane_v, [xh, yh])
          plsc.addupdate(an_v.at[pl.ds(2 * q * _N + off, 16)], dlo * dlo)
          plsc.addupdate(an_v.at[pl.ds((2 * q + 1) * _N + off, 16)], dhi * dhi)

      return 0

    lax.fori_loop(0, _CPG, channel, 0)

    pltpu.sync_copy(ap_v, accp_hbm.at[cg, b])
    pltpu.sync_copy(an_v, accn_hbm.at[cg, b])

  return k(out_1, out_2, i1p, i2p, innp)


def _final_kernel(ap_ref, an_ref, o_ref):
  p = ap_ref[0] + ap_ref[1] + ap_ref[2] + ap_ref[3]
  pos = jnp.sqrt(p + _EPS)
  nacc = an_ref[0] + an_ref[1] + an_ref[2] + an_ref[3]
  neg = jnp.sqrt(nacc + _EPS)
  negm = neg[:, 0:_N]
  for m in range(1, _M):
    negm = negm + neg[:, m * _N:(m + 1) * _N]
  negm = negm * (1.0 / _M)
  terms = jnp.maximum(pos - negm + _MARGIN, 0.0)
  o_ref[0, 0] = jnp.sum(terms) / (_B * _N)


def kernel(out_1, out_2, xy_1, xy_2, nonmatch_2):
  xy_1 = xy_1.astype(jnp.int32)
  xy_2 = xy_2.astype(jnp.int32)
  nonmatch_2 = nonmatch_2.astype(jnp.int32)

  i1p = xy_1[..., 0] * 256 + xy_1[..., 1]
  i2p = xy_2[..., 0] * 256 + xy_2[..., 1]
  inp = nonmatch_2[..., 0] * 256 + nonmatch_2[..., 1]

  innp = (inp[:, 0::2, :] | (inp[:, 1::2, :] << 16)).reshape(_B, _M // 2 * _N)

  accp, accn = _sc_accumulate(out_1, out_2, i1p, i2p, innp)

  loss = pl.pallas_call(
      _final_kernel,
      out_shape=jax.ShapeDtypeStruct((1, 1), jnp.float32),
      out_specs=pl.BlockSpec(memory_space=pltpu.SMEM),
  )(accp, accn)
  return loss[0, 0]

# --- scband reference (transcript-rebuilt; emitter-appended) ---
"""Pipeline reference for scband-triplet-loss-10488310136948 (READ-ONLY COPY).

The authoritative reference and input builder live on the scoring server;
editing this copy changes nothing except your own understanding.
"""

import jax, jax.numpy as jnp
import numpy as np


def _features_from_image(img_feat, pos):
    b = img_feat.shape[0]
    bidx = jnp.arange(b)[:, None]
    # advanced indices separated by a slice -> advanced dims move to front: (b, n, c)
    return img_feat[bidx, :, pos[:, :, 0], pos[:, :, 1]]


def _feature_distance(feat1, feat2, eps=1e-07, sqrt=True):
    diff = jnp.sum((feat1 - feat2) ** 2, axis=-1)
    if sqrt:
        diff = jnp.sqrt(diff + eps)
    return diff


def setup_inputs(seed: int = 0) -> dict:
    key = jax.random.key(seed)
    k1, k2, k3, k4, k5 = jax.random.split(key, 5)
    b, c, w, h = 8, 96, 224, 224
    n, m = 4096, 8
    out_1 = jax.random.normal(k1, (b, c, w, h), dtype=jnp.float32)
    out_2 = jax.random.normal(k2, (b, c, w, h), dtype=jnp.float32)
    xy_1 = jax.random.randint(k3, (b, n, 2), 0, 224, dtype=jnp.int64 if jax.config.jax_enable_x64 else jnp.int32)
    xy_2 = jax.random.randint(k4, (b, n, 2), 0, 224, dtype=xy_1.dtype)
    nonmatch_2 = jax.random.randint(k5, (b, m, n, 2), 0, 224, dtype=xy_1.dtype)
    return {"out_1": out_1, "out_2": out_2, "xy_1": xy_1, "xy_2": xy_2, "nonmatch_2": nonmatch_2}


def reference(out_1, out_2, xy_1, xy_2, nonmatch_2):
    margin = 0.5
    # Matching points
    out_1_match = _features_from_image(out_1, xy_1)
    out_2_match = _features_from_image(out_2, xy_2)
    pos_dists = _feature_distance(out_1_match, out_2_match)
    # Non matching points
    b, m, n, _ = nonmatch_2.shape
    out_2_nonmatch = _features_from_image(out_2, nonmatch_2.reshape(b, -1, 2))
    neg_dists = _feature_distance(jnp.tile(out_1_match, (1, m, 1)), out_2_nonmatch)
    neg_dists = neg_dists.reshape(b, m, n).mean(axis=1)
    loss = jnp.mean(jax.nn.relu(pos_dists - neg_dists + margin))
    return loss

if __name__ == "__main__":
    import jax
    _d = setup_inputs()
    print(jax.jit(kernel)(*tuple(_d.values())))

</pallas_src>

<mosaic_0001>
#map = affine_map<(d0, d1) -> (0, 0, 0, 0)>
#map1 = affine_map<(d0, d1) -> (0, 0)>
#map2 = affine_map<(d0, d1) -> (0, 0, 0)>
module attributes {stable_mosaic.version = 14 : i64} {
  func.func @k(%arg0: i32, %arg1: i32, %arg2: memref<8x96x224x224xf32, #tpu.memory_space<hbm>>, %arg3: memref<8x96x224x224xf32, #tpu.memory_space<hbm>>, %arg4: memref<8x4096xi32, #tpu.memory_space<hbm>>, %arg5: memref<8x4096xi32, #tpu.memory_space<hbm>>, %arg6: memref<8x16384xi32, #tpu.memory_space<hbm>>, %arg7: memref<4x8x4096xf32, #tpu.memory_space<hbm>>, %arg8: memref<4x8x32768xf32, #tpu.memory_space<hbm>>, %arg9: memref<224x224xf32, #tpu.memory_space<vmem>>, %arg10: memref<4096xi32, #tpu.memory_space<vmem>>, %arg11: memref<4096xi32, #tpu.memory_space<vmem>>, %arg12: memref<16384xi32, #tpu.memory_space<vmem>>, %arg13: memref<4096xf32, #tpu.memory_space<vmem>>, %arg14: memref<4096xf32, #tpu.memory_space<vmem>>, %arg15: memref<32768xf32, #tpu.memory_space<vmem>>) attributes {dimension_semantics = [#tpu.dimension_semantics<core_parallel>, #tpu.dimension_semantics<subcore_parallel>], iteration_bounds = array<i64: 2, 16>, scalar_prefetch = 0 : i64, scratch_operands = 7 : i64, tpu.core_type = #tpu.core_type<sc_vector_subcore>, window_params = [{transform_indices = #map}, {transform_indices = #map}, {transform_indices = #map1}, {transform_indices = #map1}, {transform_indices = #map1}, {transform_indices = #map2}, {transform_indices = #map2}]} {
    %mul3A = arith.constant 2 : i32
    %mul3A_0 = arith.muli %arg1, %mul3A : i32
    %add3A = arith.addi %mul3A_0, %arg0 : i32
    %jit3A = arith.constant 4 : i32
    %div3A = arith.divsi %add3A, %jit3A : i32
    %sign3A = arith.constant 0 : i32
    %sign3A_1 = arith.cmpi sgt, %add3A, %sign3A : i32
    %sign3A_2 = arith.extui %sign3A_1 : i1 to i32
    %sign3A_3 = arith.constant 0 : i32
    %sign3A_4 = arith.cmpi slt, %add3A, %sign3A_3 : i32
    %sign3A_5 = arith.extui %sign3A_4 : i1 to i32
    %sign3A_6 = arith.subi %sign3A_2, %sign3A_5 : i32
    %sign3A_7 = arith.constant 0 : i32
    %sign3A_8 = arith.cmpi sgt, %jit3A, %sign3A_7 : i32
    %sign3A_9 = arith.extui %sign3A_8 : i1 to i32
    %sign3A_10 = arith.constant 0 : i32
    %sign3A_11 = arith.cmpi slt, %jit3A, %sign3A_10 : i32
    %sign3A_12 = arith.extui %sign3A_11 : i1 to i32
    %sign3A_13 = arith.subi %sign3A_9, %sign3A_12 : i32
    %ne3A = arith.cmpi ne, %sign3A_6, %sign3A_13 : i32
    %rem3A = arith.remsi %add3A, %jit3A : i32
    %ne3A_14 = arith.constant 0 : i32
    %ne3A_15 = arith.cmpi ne, %rem3A, %ne3A_14 : i32
    %and3A = arith.andi %ne3A, %ne3A_15 : i1
    %sub3A = arith.constant 1 : i32
    %sub3A_16 = arith.subi %div3A, %sub3A : i32
    %select_n3A = arith.select %and3A, %sub3A_16, %div3A : i32
    %jit3A_17 = arith.constant 4 : i32
    %eq3A = arith.constant 0 : i32
    %eq3A_18 = arith.cmpi eq, %jit3A_17, %eq3A : i32
    %jit3A_19 = arith.constant 1 : i32
    %select_n3A_20 = arith.select %eq3A_18, %jit3A_19, %jit3A_17 : i32
    %rem3A_21 = arith.remsi %add3A, %select_n3A_20 : i32
    %ne3A_22 = arith.constant 0 : i32
    %ne3A_23 = arith.cmpi ne, %rem3A_21, %ne3A_22 : i32
    %lt3A = arith.constant 0 : i32
    %lt3A_24 = arith.cmpi slt, %rem3A_21, %lt3A : i32
    %lt3A_25 = arith.constant 0 : i32
    %lt3A_26 = arith.cmpi slt, %select_n3A_20, %lt3A_25 : i32
    %ne3A_27 = arith.xori %lt3A_24, %lt3A_26 : i1
    %and3A_28 = arith.andi %ne3A_27, %ne3A_23 : i1
    %add3A_29 = arith.addi %rem3A_21, %select_n3A_20 : i32
    %select_n3A_30 = arith.select %and3A_28, %add3A_29, %rem3A_21 : i32
    %mul3A_31 = arith.constant 24 : i32
    %mul3A_32 = arith.muli %select_n3A_30, %mul3A_31 : i32
    "tpu.region"() ({
      %run_scoped3A = tpu.sem_alloc : memref<!tpu.dma_semaphore, #tpu.memory_space<semaphore_mem>>
      %dma_start3A = arith.constant 0 : i32
      %dma_start3A_45 = tpu.memref_slice %arg4[%select_n3A, %dma_start3A] : memref<8x4096xi32, #tpu.memory_space<hbm>> -> memref<1x4096xi32, #tpu.memory_space<hbm>>
      %dma_start3A_46 = tpu.memref_squeeze %dma_start3A_45 : memref<1x4096xi32, #tpu.memory_space<hbm>> -> memref<4096xi32, #tpu.memory_space<hbm>>
      %dma_start3A_47 = arith.constant 0 : i32
      %dma_start3A_48 = tpu.memref_slice %arg4[%select_n3A, %dma_start3A_47] : memref<8x4096xi32, #tpu.memory_space<hbm>> -> memref<1x4096xi32, #tpu.memory_space<hbm>>
      %dma_start3A_49 = tpu.memref_squeeze %dma_start3A_48 : memref<1x4096xi32, #tpu.memory_space<hbm>> -> memref<4096xi32, #tpu.memory_space<hbm>>
      tpu.enqueue_dma source(%dma_start3A_49 : memref<4096xi32, #tpu.memory_space<hbm>>) target(%arg10 : memref<4096xi32, #tpu.memory_space<vmem>>) target_semaphore(%run_scoped3A : memref<!tpu.dma_semaphore, #tpu.memory_space<semaphore_mem>>)
      %dma_wait3A = arith.constant 0 : i32
      %dma_wait3A_50 = tpu.memref_slice %arg4[%select_n3A, %dma_wait3A] : memref<8x4096xi32, #tpu.memory_space<hbm>> -> memref<1x4096xi32, #tpu.memory_space<hbm>>
      %dma_wait3A_51 = tpu.memref_squeeze %dma_wait3A_50 : memref<1x4096xi32, #tpu.memory_space<hbm>> -> memref<4096xi32, #tpu.memory_space<hbm>>
      %dma_wait3A_52 = arith.constant 0 : i32
      %dma_wait3A_53 = tpu.memref_slice %arg4[%select_n3A, %dma_wait3A_52] : memref<8x4096xi32, #tpu.memory_space<hbm>> -> memref<1x4096xi32, #tpu.memory_space<hbm>>
      %dma_wait3A_54 = tpu.memref_squeeze %dma_wait3A_53 : memref<1x4096xi32, #tpu.memory_space<hbm>> -> memref<4096xi32, #tpu.memory_space<hbm>>
      tpu.wait_dma2 semaphore(%run_scoped3A : memref<!tpu.dma_semaphore, #tpu.memory_space<semaphore_mem>>) src(%dma_wait3A_54 : memref<4096xi32, #tpu.memory_space<hbm>>) dst(%arg10 : memref<4096xi32, #tpu.memory_space<vmem>>)
      tpu.yield
    }) : () -> ()
    "tpu.region"() ({
      %run_scoped3A = tpu.sem_alloc : memref<!tpu.dma_semaphore, #tpu.memory_space<semaphore_mem>>
      %dma_start3A = arith.constant 0 : i32
      %dma_start3A_45 = tpu.memref_slice %arg5[%select_n3A, %dma_start3A] : memref<8x4096xi32, #tpu.memory_space<hbm>> -> memref<1x4096xi32, #tpu.memory_space<hbm>>
      %dma_start3A_46 = tpu.memref_squeeze %dma_start3A_45 : memref<1x4096xi32, #tpu.memory_space<hbm>> -> memref<4096xi32, #tpu.memory_space<hbm>>
      %dma_start3A_47 = arith.constant 0 : i32
      %dma_start3A_48 = tpu.memref_slice %arg5[%select_n3A, %dma_start3A_47] : memref<8x4096xi32, #tpu.memory_space<hbm>> -> memref<1x4096xi32, #tpu.memory_space<hbm>>
      %dma_start3A_49 = tpu.memref_squeeze %dma_start3A_48 : memref<1x4096xi32, #tpu.memory_space<hbm>> -> memref<4096xi32, #tpu.memory_space<hbm>>
      tpu.enqueue_dma source(%dma_start3A_49 : memref<4096xi32, #tpu.memory_space<hbm>>) target(%arg11 : memref<4096xi32, #tpu.memory_space<vmem>>) target_semaphore(%run_scoped3A : memref<!tpu.dma_semaphore, #tpu.memory_space<semaphore_mem>>)
      %dma_wait3A = arith.constant 0 : i32
      %dma_wait3A_50 = tpu.memref_slice %arg5[%select_n3A, %dma_wait3A] : memref<8x4096xi32, #tpu.memory_space<hbm>> -> memref<1x4096xi32, #tpu.memory_space<hbm>>
      %dma_wait3A_51 = tpu.memref_squeeze %dma_wait3A_50 : memref<1x4096xi32, #tpu.memory_space<hbm>> -> memref<4096xi32, #tpu.memory_space<hbm>>
      %dma_wait3A_52 = arith.constant 0 : i32
      %dma_wait3A_53 = tpu.memref_slice %arg5[%select_n3A, %dma_wait3A_52] : memref<8x4096xi32, #tpu.memory_space<hbm>> -> memref<1x4096xi32, #tpu.memory_space<hbm>>
      %dma_wait3A_54 = tpu.memref_squeeze %dma_wait3A_53 : memref<1x4096xi32, #tpu.memory_space<hbm>> -> memref<4096xi32, #tpu.memory_space<hbm>>
      tpu.wait_dma2 semaphore(%run_scoped3A : memref<!tpu.dma_semaphore, #tpu.memory_space<semaphore_mem>>) src(%dma_wait3A_54 : memref<4096xi32, #tpu.memory_space<hbm>>) dst(%arg11 : memref<4096xi32, #tpu.memory_space<vmem>>)
      tpu.yield
    }) : () -> ()
    "tpu.region"() ({
      %run_scoped3A = tpu.sem_alloc : memref<!tpu.dma_semaphore, #tpu.memory_space<semaphore_mem>>
      %dma_start3A = arith.constant 0 : i32
      %dma_start3A_45 = tpu.memref_slice %arg6[%select_n3A, %dma_start3A] : memref<8x16384xi32, #tpu.memory_space<hbm>> -> memref<1x16384xi32, #tpu.memory_space<hbm>>
      %dma_start3A_46 = tpu.memref_squeeze %dma_start3A_45 : memref<1x16384xi32, #tpu.memory_space<hbm>> -> memref<16384xi32, #tpu.memory_space<hbm>>
      %dma_start3A_47 = arith.constant 0 : i32
      %dma_start3A_48 = tpu.memref_slice %arg6[%select_n3A, %dma_start3A_47] : memref<8x16384xi32, #tpu.memory_space<hbm>> -> memref<1x16384xi32, #tpu.memory_space<hbm>>
      %dma_start3A_49 = tpu.memref_squeeze %dma_start3A_48 : memref<1x16384xi32, #tpu.memory_space<hbm>> -> memref<16384xi32, #tpu.memory_space<hbm>>
      tpu.enqueue_dma source(%dma_start3A_49 : memref<16384xi32, #tpu.memory_space<hbm>>) target(%arg12 : memref<16384xi32, #tpu.memory_space<vmem>>) target_semaphore(%run_scoped3A : memref<!tpu.dma_semaphore, #tpu.memory_space<semaphore_mem>>)
      %dma_wait3A = arith.constant 0 : i32
      %dma_wait3A_50 = tpu.memref_slice %arg6[%select_n3A, %dma_wait3A] : memref<8x16384xi32, #tpu.memory_space<hbm>> -> memref<1x16384xi32, #tpu.memory_space<hbm>>
      %dma_wait3A_51 = tpu.memref_squeeze %dma_wait3A_50 : memref<1x16384xi32, #tpu.memory_space<hbm>> -> memref<16384xi32, #tpu.memory_space<hbm>>
      %dma_wait3A_52 = arith.constant 0 : i32
      %dma_wait3A_53 = tpu.memref_slice %arg6[%select_n3A, %dma_wait3A_52] : memref<8x16384xi32, #tpu.memory_space<hbm>> -> memref<1x16384xi32, #tpu.memory_space<hbm>>
      %dma_wait3A_54 = tpu.memref_squeeze %dma_wait3A_53 : memref<1x16384xi32, #tpu.memory_space<hbm>> -> memref<16384xi32, #tpu.memory_space<hbm>>
      tpu.wait_dma2 semaphore(%run_scoped3A : memref<!tpu.dma_semaphore, #tpu.memory_space<semaphore_mem>>) src(%dma_wait3A_54 : memref<16384xi32, #tpu.memory_space<hbm>>) dst(%arg12 : memref<16384xi32, #tpu.memory_space<vmem>>)
      tpu.yield
    }) : () -> ()
    %broadcast_in_dim3A = arith.constant 0.000000e+00 : f32
    %broadcast_in_dim3A_33 = vector.broadcast %broadcast_in_dim3A : f32 to vector<16xf32>
    %parallel_loop3A = arith.constant 0 : i32
    %parallel_loop3A_34 = arith.constant 256 : i32
    %parallel_loop3A_35 = arith.constant 1 : i32
    scf.for %parallel_loop3A_45 = %parallel_loop3A to %parallel_loop3A_34 step %parallel_loop3A_35  : i32 {
      %parallel_loop3A_46 = arith.constant 16 : i32
      %parallel_loop3A_47 = arith.muli %parallel_loop3A_45, %parallel_loop3A_46 : i32
      %parallel_loop3A_48 = arith.index_cast %parallel_loop3A_47 : i32 to index
      %parallel_loop3A_49 = tpu.vector_load %arg14[%parallel_loop3A_48] {strides = array<i32>} : memref<4096xf32, #tpu.memory_space<vmem>>, vector<16xf32>,
      tpu.vector_store %arg14[%parallel_loop3A_48], %broadcast_in_dim3A_33 {strides = array<i32>} : memref<4096xf32, #tpu.memory_space<vmem>>, vector<16xf32>,
    } {sc.loop_unroll_factor = 8 : i64, sc.parallel_access}
    %parallel_loop3A_36 = arith.constant 0 : i32
    %parallel_loop3A_37 = arith.constant 2048 : i32
    %parallel_loop3A_38 = arith.constant 1 : i32
    scf.for %parallel_loop3A_45 = %parallel_loop3A_36 to %parallel_loop3A_37 step %parallel_loop3A_38  : i32 {
      %parallel_loop3A_46 = arith.constant 16 : i32
      %parallel_loop3A_47 = arith.muli %parallel_loop3A_45, %parallel_loop3A_46 : i32
      %parallel_loop3A_48 = arith.index_cast %parallel_loop3A_47 : i32 to index
      %parallel_loop3A_49 = tpu.vector_load %arg15[%parallel_loop3A_48] {strides = array<i32>} : memref<32768xf32, #tpu.memory_space<vmem>>, vector<16xf32>,
      tpu.vector_store %arg15[%parallel_loop3A_48], %broadcast_in_dim3A_33 {strides = array<i32>} : memref<32768xf32, #tpu.memory_space<vmem>>, vector<16xf32>,
    } {sc.loop_unroll_factor = 8 : i64, sc.parallel_access}
    %scan3A = arith.constant 0 : i32
    %scan3A_39 = arith.constant 0 : i32
    %scan3A_40 = arith.constant 24 : i32
    %scan3A_41 = arith.addi %scan3A_39, %scan3A_40 : i32
    %scan3A_42 = arith.constant 1 : i32
    %scan3A_43 = scf.for %scan3A_45 = %scan3A_39 to %scan3A_41 step %scan3A_42 iter_args(%scan3A_46 = %scan3A) -> (i32)  : i32 {
      %add3A_47 = arith.addi %mul3A_32, %scan3A_45 : i32
      "tpu.region"() ({
        %run_scoped3A = tpu.sem_alloc : memref<!tpu.dma_semaphore, #tpu.memory_space<semaphore_mem>>
        %dma_start3A = arith.constant 0 : i32
        %dma_start3A_55 = arith.constant 0 : i32
        %dma_start3A_56 = tpu.memref_slice %arg2[%select_n3A, %add3A_47, %dma_start3A, %dma_start3A_55] : memref<8x96x224x224xf32, #tpu.memory_space<hbm>> -> memref<1x1x224x224xf32, #tpu.memory_space<hbm>>
        %dma_start3A_57 = tpu.memref_squeeze %dma_start3A_56 : memref<1x1x224x224xf32, #tpu.memory_space<hbm>> -> memref<224x224xf32, #tpu.memory_space<hbm>>
        %dma_start3A_58 = arith.constant 0 : i32
        %dma_start3A_59 = arith.constant 0 : i32
        %dma_start3A_60 = tpu.memref_slice %arg2[%select_n3A, %add3A_47, %dma_start3A_58, %dma_start3A_59] : memref<8x96x224x224xf32, #tpu.memory_space<hbm>> -> memref<1x1x224x224xf32, #tpu.memory_space<hbm>>
        %dma_start3A_61 = tpu.memref_squeeze %dma_start3A_60 : memref<1x1x224x224xf32, #tpu.memory_space<hbm>> -> memref<224x224xf32, #tpu.memory_space<hbm>>
        tpu.enqueue_dma source(%dma_start3A_61 : memref<224x224xf32, #tpu.memory_space<hbm>>) target(%arg9 : memref<224x224xf32, #tpu.memory_space<vmem>>) target_semaphore(%run_scoped3A : memref<!tpu.dma_semaphore, #tpu.memory_space<semaphore_mem>>)
        %dma_wait3A = arith.constant 0 : i32
        %dma_wait3A_62 = arith.constant 0 : i32
        %dma_wait3A_63 = tpu.memref_slice %arg2[%select_n3A, %add3A_47, %dma_wait3A, %dma_wait3A_62] : memref<8x96x224x224xf32, #tpu.memory_space<hbm>> -> memref<1x1x224x224xf32, #tpu.memory_space<hbm>>
        %dma_wait3A_64 = tpu.memref_squeeze %dma_wait3A_63 : memref<1x1x224x224xf32, #tpu.memory_space<hbm>> -> memref<224x224xf32, #tpu.memory_space<hbm>>
        %dma_wait3A_65 = arith.constant 0 : i32
        %dma_wait3A_66 = arith.constant 0 : i32
        %dma_wait3A_67 = tpu.memref_slice %arg2[%select_n3A, %add3A_47, %dma_wait3A_65, %dma_wait3A_66] : memref<8x96x224x224xf32, #tpu.memory_space<hbm>> -> memref<1x1x224x224xf32, #tpu.memory_space<hbm>>
        %dma_wait3A_68 = tpu.memref_squeeze %dma_wait3A_67 : memref<1x1x224x224xf32, #tpu.memory_space<hbm>> -> memref<224x224xf32, #tpu.memory_space<hbm>>
        tpu.wait_dma2 semaphore(%run_scoped3A : memref<!tpu.dma_semaphore, #tpu.memory_space<semaphore_mem>>) src(%dma_wait3A_68 : memref<224x224xf32, #tpu.memory_space<hbm>>) dst(%arg9 : memref<224x224xf32, #tpu.memory_space<vmem>>)
        tpu.yield
      }) : () -> ()
      %parallel_loop3A_48 = arith.constant 0 : i32
      %parallel_loop3A_49 = arith.constant 256 : i32
      %parallel_loop3A_50 = arith.constant 1 : i32
      scf.for %parallel_loop3A_55 = %parallel_loop3A_48 to %parallel_loop3A_49 step %parallel_loop3A_50  : i32 {
        %parallel_loop3A_56 = arith.constant 16 : i32
        %parallel_loop3A_57 = arith.muli %parallel_loop3A_55, %parallel_loop3A_56 : i32
        %parallel_loop3A_58 = arith.index_cast %parallel_loop3A_57 : i32 to index
        %parallel_loop3A_59 = tpu.vector_load %arg10[%parallel_loop3A_58] {strides = array<i32>} : memref<4096xi32, #tpu.memory_space<vmem>>, vector<16xi32>,
        %parallel_loop3A_60 = arith.constant 8 : i32
        %parallel_loop3A_61 = vector.broadcast %parallel_loop3A_60 : i32 to vector<16xi32>
        %parallel_loop3A_62 = arith.shrui %parallel_loop3A_59, %parallel_loop3A_61 : vector<16xi32>
        %parallel_loop3A_63 = arith.constant 255 : i32
        %parallel_loop3A_64 = vector.broadcast %parallel_loop3A_63 : i32 to vector<16xi32>
        %parallel_loop3A_65 = arith.andi %parallel_loop3A_62, %parallel_loop3A_64 : vector<16xi32>
        %parallel_loop3A_66 = arith.constant 255 : i32
        %parallel_loop3A_67 = vector.broadcast %parallel_loop3A_66 : i32 to vector<16xi32>
        %parallel_loop3A_68 = arith.andi %parallel_loop3A_59, %parallel_loop3A_67 : vector<16xi32>
        %parallel_loop3A_69 = tpu.vector_load_idx %arg9[%parallel_loop3A_65, %parallel_loop3A_68] : memref<224x224xf32, #tpu.memory_space<vmem>>[vector<16xi32>, vector<16xi32>], vector<16xf32>,
        %parallel_loop3A_70 = arith.index_cast %parallel_loop3A_57 : i32 to index
        %parallel_loop3A_71 = tpu.vector_load %arg13[%parallel_loop3A_70] {strides = array<i32>} : memref<4096xf32, #tpu.memory_space<vmem>>, vector<16xf32>,
        tpu.vector_store %arg13[%parallel_loop3A_70], %parallel_loop3A_69 {strides = array<i32>} : memref<4096xf32, #tpu.memory_space<vmem>>, vector<16xf32>,
      } {sc.loop_unroll_factor = 4 : i64, sc.parallel_access}
      "tpu.region"() ({
        %run_scoped3A = tpu.sem_alloc : memref<!tpu.dma_semaphore, #tpu.memory_space<semaphore_mem>>
        %dma_start3A = arith.constant 0 : i32
        %dma_start3A_55 = arith.constant 0 : i32
        %dma_start3A_56 = tpu.memref_slice %arg3[%select_n3A, %add3A_47, %dma_start3A, %dma_start3A_55] : memref<8x96x224x224xf32, #tpu.memory_space<hbm>> -> memref<1x1x224x224xf32, #tpu.memory_space<hbm>>
        %dma_start3A_57 = tpu.memref_squeeze %dma_start3A_56 : memref<1x1x224x224xf32, #tpu.memory_space<hbm>> -> memref<224x224xf32, #tpu.memory_space<hbm>>
        %dma_start3A_58 = arith.constant 0 : i32
        %dma_start3A_59 = arith.constant 0 : i32
        %dma_start3A_60 = tpu.memref_slice %arg3[%select_n3A, %add3A_47, %dma_start3A_58, %dma_start3A_59] : memref<8x96x224x224xf32, #tpu.memory_space<hbm>> -> memref<1x1x224x224xf32, #tpu.memory_space<hbm>>
        %dma_start3A_61 = tpu.memref_squeeze %dma_start3A_60 : memref<1x1x224x224xf32, #tpu.memory_space<hbm>> -> memref<224x224xf32, #tpu.memory_space<hbm>>
        tpu.enqueue_dma source(%dma_start3A_61 : memref<224x224xf32, #tpu.memory_space<hbm>>) target(%arg9 : memref<224x224xf32, #tpu.memory_space<vmem>>) target_semaphore(%run_scoped3A : memref<!tpu.dma_semaphore, #tpu.memory_space<semaphore_mem>>)
        %dma_wait3A = arith.constant 0 : i32
        %dma_wait3A_62 = arith.constant 0 : i32
        %dma_wait3A_63 = tpu.memref_slice %arg3[%select_n3A, %add3A_47, %dma_wait3A, %dma_wait3A_62] : memref<8x96x224x224xf32, #tpu.memory_space<hbm>> -> memref<1x1x224x224xf32, #tpu.memory_space<hbm>>
        %dma_wait3A_64 = tpu.memref_squeeze %dma_wait3A_63 : memref<1x1x224x224xf32, #tpu.memory_space<hbm>> -> memref<224x224xf32, #tpu.memory_space<hbm>>
        %dma_wait3A_65 = arith.constant 0 : i32
        %dma_wait3A_66 = arith.constant 0 : i32
        %dma_wait3A_67 = tpu.memref_slice %arg3[%select_n3A, %add3A_47, %dma_wait3A_65, %dma_wait3A_66] : memref<8x96x224x224xf32, #tpu.memory_space<hbm>> -> memref<1x1x224x224xf32, #tpu.memory_space<hbm>>
        %dma_wait3A_68 = tpu.memref_squeeze %dma_wait3A_67 : memref<1x1x224x224xf32, #tpu.memory_space<hbm>> -> memref<224x224xf32, #tpu.memory_space<hbm>>
        tpu.wait_dma2 semaphore(%run_scoped3A : memref<!tpu.dma_semaphore, #tpu.memory_space<semaphore_mem>>) src(%dma_wait3A_68 : memref<224x224xf32, #tpu.memory_space<hbm>>) dst(%arg9 : memref<224x224xf32, #tpu.memory_space<vmem>>)
        tpu.yield
      }) : () -> ()
      %parallel_loop3A_51 = arith.constant 0 : i32
      %parallel_loop3A_52 = arith.constant 256 : i32
      %parallel_loop3A_53 = arith.constant 1 : i32
      scf.for %parallel_loop3A_55 = %parallel_loop3A_51 to %parallel_loop3A_52 step %parallel_loop3A_53  : i32 {
        %parallel_loop3A_56 = arith.constant 16 : i32
        %parallel_loop3A_57 = arith.muli %parallel_loop3A_55, %parallel_loop3A_56 : i32
        %parallel_loop3A_58 = arith.index_cast %parallel_loop3A_57 : i32 to index
        %parallel_loop3A_59 = tpu.vector_load %arg13[%parallel_loop3A_58] {strides = array<i32>} : memref<4096xf32, #tpu.memory_space<vmem>>, vector<16xf32>,
        %parallel_loop3A_60 = arith.index_cast %parallel_loop3A_57 : i32 to index
        %parallel_loop3A_61 = tpu.vector_load %arg11[%parallel_loop3A_60] {strides = array<i32>} : memref<4096xi32, #tpu.memory_space<vmem>>, vector<16xi32>,
        %parallel_loop3A_62 = arith.constant 8 : i32
        %parallel_loop3A_63 = vector.broadcast %parallel_loop3A_62 : i32 to vector<16xi32>
        %parallel_loop3A_64 = arith.shrui %parallel_loop3A_61, %parallel_loop3A_63 : vector<16xi32>
        %parallel_loop3A_65 = arith.constant 255 : i32
        %parallel_loop3A_66 = vector.broadcast %parallel_loop3A_65 : i32 to vector<16xi32>
        %parallel_loop3A_67 = arith.andi %parallel_loop3A_64, %parallel_loop3A_66 : vector<16xi32>
        %parallel_loop3A_68 = arith.constant 255 : i32
        %parallel_loop3A_69 = vector.broadcast %parallel_loop3A_68 : i32 to vector<16xi32>
        %parallel_loop3A_70 = arith.andi %parallel_loop3A_61, %parallel_loop3A_69 : vector<16xi32>
        %parallel_loop3A_71 = tpu.vector_load_idx %arg9[%parallel_loop3A_67, %parallel_loop3A_70] : memref<224x224xf32, #tpu.memory_space<vmem>>[vector<16xi32>, vector<16xi32>], vector<16xf32>,
        %parallel_loop3A_72 = arith.subf %parallel_loop3A_59, %parallel_loop3A_71 : vector<16xf32>
        %parallel_loop3A_73 = arith.mulf %parallel_loop3A_72, %parallel_loop3A_72 : vector<16xf32>
        %parallel_loop3A_74 = arith.index_cast %parallel_loop3A_57 : i32 to index
        %parallel_loop3A_75 = tpu.vector_load %arg14[%parallel_loop3A_74] {strides = array<i32>} : memref<4096xf32, #tpu.memory_space<vmem>>, vector<16xf32>,
        tpu.vector_store %arg14[%parallel_loop3A_74], %parallel_loop3A_73 {add = true, strides = array<i32>} : memref<4096xf32, #tpu.memory_space<vmem>>, vector<16xf32>,
        %parallel_loop3A_76 = arith.constant 0 : i32
        %parallel_loop3A_77 = arith.addi %parallel_loop3A_76, %parallel_loop3A_57 : i32
        %parallel_loop3A_78 = arith.index_cast %parallel_loop3A_77 : i32 to index
        %parallel_loop3A_79 = tpu.vector_load %arg12[%parallel_loop3A_78] {strides = array<i32>} : memref<16384xi32, #tpu.memory_space<vmem>>, vector<16xi32>,
        %parallel_loop3A_80 = arith.constant 8 : i32
        %parallel_loop3A_81 = vector.broadcast %parallel_loop3A_80 : i32 to vector<16xi32>
        %parallel_loop3A_82 = arith.shrui %parallel_loop3A_79, %parallel_loop3A_81 : vector<16xi32>
        %parallel_loop3A_83 = arith.constant 255 : i32
        %parallel_loop3A_84 = vector.broadcast %parallel_loop3A_83 : i32 to vector<16xi32>
        %parallel_loop3A_85 = arith.andi %parallel_loop3A_82, %parallel_loop3A_84 : vector<16xi32>
        %parallel_loop3A_86 = arith.constant 255 : i32
        %parallel_loop3A_87 = vector.broadcast %parallel_loop3A_86 : i32 to vector<16xi32>
        %parallel_loop3A_88 = arith.andi %parallel_loop3A_79, %parallel_loop3A_87 : vector<16xi32>
        %parallel_loop3A_89 = tpu.vector_load_idx %arg9[%parallel_loop3A_85, %parallel_loop3A_88] : memref<224x224xf32, #tpu.memory_space<vmem>>[vector<16xi32>, vector<16xi32>], vector<16xf32>,
        %parallel_loop3A_90 = arith.subf %parallel_loop3A_59, %parallel_loop3A_89 : vector<16xf32>
        %parallel_loop3A_91 = arith.constant 16 : i32
        %parallel_loop3A_92 = vector.broadcast %parallel_loop3A_91 : i32 to vector<16xi32>
        %parallel_loop3A_93 = arith.shrui %parallel_loop3A_79, %parallel_loop3A_92 : vector<16xi32>
        %parallel_loop3A_94 = arith.constant 8 : i32
        %parallel_loop3A_95 = vector.broadcast %parallel_loop3A_94 : i32 to vector<16xi32>
        %parallel_loop3A_96 = arith.shrui %parallel_loop3A_93, %parallel_loop3A_95 : vector<16xi32>
        %parallel_loop3A_97 = arith.constant 255 : i32
        %parallel_loop3A_98 = vector.broadcast %parallel_loop3A_97 : i32 to vector<16xi32>
        %parallel_loop3A_99 = arith.andi %parallel_loop3A_96, %parallel_loop3A_98 : vector<16xi32>
        %parallel_loop3A_100 = arith.constant 255 : i32
        %parallel_loop3A_101 = vector.broadcast %parallel_loop3A_100 : i32 to vector<16xi32>
        %parallel_loop3A_102 = arith.andi %parallel_loop3A_93, %parallel_loop3A_101 : vector<16xi32>
        %parallel_loop3A_103 = tpu.vector_load_idx %arg9[%parallel_loop3A_99, %parallel_loop3A_102] : memref<224x224xf32, #tpu.memory_space<vmem>>[vector<16xi32>, vector<16xi32>], vector<16xf32>,
        %parallel_loop3A_104 = arith.subf %parallel_loop3A_59, %parallel_loop3A_103 : vector<16xf32>
        %parallel_loop3A_105 = arith.constant 0 : i32
        %parallel_loop3A_106 = arith.addi %parallel_loop3A_105, %parallel_loop3A_57 : i32
        %parallel_loop3A_107 = arith.mulf %parallel_loop3A_90, %parallel_loop3A_90 : vector<16xf32>
        %parallel_loop3A_108 = arith.index_cast %parallel_loop3A_106 : i32 to index
        %parallel_loop3A_109 = tpu.vector_load %arg15[%parallel_loop3A_108] {strides = array<i32>} : memref<32768xf32, #tpu.memory_space<vmem>>, vector<16xf32>,
        tpu.vector_store %arg15[%parallel_loop3A_108], %parallel_loop3A_107 {add = true, strides = array<i32>} : memref<32768xf32, #tpu.memory_space<vmem>>, vector<16xf32>,
        %parallel_loop3A_110 = arith.constant 4096 : i32
        %parallel_loop3A_111 = arith.addi %parallel_loop3A_110, %parallel_loop3A_57 : i32
        %parallel_loop3A_112 = arith.mulf %parallel_loop3A_104, %parallel_loop3A_104 : vector<16xf32>
        %parallel_loop3A_113 = arith.index_cast %parallel_loop3A_111 : i32 to index
        %parallel_loop3A_114 = tpu.vector_load %arg15[%parallel_loop3A_113] {strides = array<i32>} : memref<32768xf32, #tpu.memory_space<vmem>>, vector<16xf32>,
        tpu.vector_store %arg15[%parallel_loop3A_113], %parallel_loop3A_112 {add = true, strides = array<i32>} : memref<32768xf32, #tpu.memory_space<vmem>>, vector<16xf32>,
        %parallel_loop3A_115 = arith.constant 4096 : i32
        %parallel_loop3A_116 = arith.addi %parallel_loop3A_115, %parallel_loop3A_57 : i32
        %parallel_loop3A_117 = arith.index_cast %parallel_loop3A_116 : i32 to index
        %parallel_loop3A_118 = tpu.vector_load %arg12[%parallel_loop3A_117] {strides = array<i32>} : memref<16384xi32, #tpu.memory_space<vmem>>, vector<16xi32>,
        %parallel_loop3A_119 = arith.constant 8 : i32
        %parallel_loop3A_120 = vector.broadcast %parallel_loop3A_119 : i32 to vector<16xi32>
        %parallel_loop3A_121 = arith.shrui %parallel_loop3A_118, %parallel_loop3A_120 : vector<16xi32>
        %parallel_loop3A_122 = arith.constant 255 : i32
        %parallel_loop3A_123 = vector.broadcast %parallel_loop3A_122 : i32 to vector<16xi32>
        %parallel_loop3A_124 = arith.andi %parallel_loop3A_121, %parallel_loop3A_123 : vector<16xi32>
        %parallel_loop3A_125 = arith.constant 255 : i32
        %parallel_loop3A_126 = vector.broadcast %parallel_loop3A_125 : i32 to vector<16xi32>
        %parallel_loop3A_127 = arith.andi %parallel_loop3A_118, %parallel_loop3A_126 : vector<16xi32>
        %parallel_loop3A_128 = tpu.vector_load_idx %arg9[%parallel_loop3A_124, %parallel_loop3A_127] : memref<224x224xf32, #tpu.memory_space<vmem>>[vector<16xi32>, vector<16xi32>], vector<16xf32>,
        %parallel_loop3A_129 = arith.subf %parallel_loop3A_59, %parallel_loop3A_128 : vector<16xf32>
        %parallel_loop3A_130 = arith.constant 16 : i32
        %parallel_loop3A_131 = vector.broadcast %parallel_loop3A_130 : i32 to vector<16xi32>
        %parallel_loop3A_132 = arith.shrui %parallel_loop3A_118, %parallel_loop3A_131 : vector<16xi32>
        %parallel_loop3A_133 = arith.constant 8 : i32
        %parallel_loop3A_134 = vector.broadcast %parallel_loop3A_133 : i32 to vector<16xi32>
        %parallel_loop3A_135 = arith.shrui %parallel_loop3A_132, %parallel_loop3A_134 : vector<16xi32>
        %parallel_loop3A_136 = arith.constant 255 : i32
        %parallel_loop3A_137 = vector.broadcast %parallel_loop3A_136 : i32 to vector<16xi32>
        %parallel_loop3A_138 = arith.andi %parallel_loop3A_135, %parallel_loop3A_137 : vector<16xi32>
        %parallel_loop3A_139 = arith.constant 255 : i32
        %parallel_loop3A_140 = vector.broadcast %parallel_loop3A_139 : i32 to vector<16xi32>
        %parallel_loop3A_141 = arith.andi %parallel_loop3A_132, %parallel_loop3A_140 : vector<16xi32>
        %parallel_loop3A_142 = tpu.vector_load_idx %arg9[%parallel_loop3A_138, %parallel_loop3A_141] : memref<224x224xf32, #tpu.memory_space<vmem>>[vector<16xi32>, vector<16xi32>], vector<16xf32>,
        %parallel_loop3A_143 = arith.subf %parallel_loop3A_59, %parallel_loop3A_142 : vector<16xf32>
        %parallel_loop3A_144 = arith.constant 8192 : i32
        %parallel_loop3A_145 = arith.addi %parallel_loop3A_144, %parallel_loop3A_57 : i32
        %parallel_loop3A_146 = arith.mulf %parallel_loop3A_129, %parallel_loop3A_129 : vector<16xf32>
        %parallel_loop3A_147 = arith.index_cast %parallel_loop3A_145 : i32 to index
        %parallel_loop3A_148 = tpu.vector_load %arg15[%parallel_loop3A_147] {strides = array<i32>} : memref<32768xf32, #tpu.memory_space<vmem>>, vector<16xf32>,
        tpu.vector_store %arg15[%parallel_loop3A_147], %parallel_loop3A_146 {add = true, strides = array<i32>} : memref<32768xf32, #tpu.memory_space<vmem>>, vector<16xf32>,
        %parallel_loop3A_149 = arith.constant 12288 : i32
        %parallel_loop3A_150 = arith.addi %parallel_loop3A_149, %parallel_loop3A_57 : i32
        %parallel_loop3A_151 = arith.mulf %parallel_loop3A_143, %parallel_loop3A_143 : vector<16xf32>
        %parallel_loop3A_152 = arith.index_cast %parallel_loop3A_150 : i32 to index
        %parallel_loop3A_153 = tpu.vector_load %arg15[%parallel_loop3A_152] {strides = array<i32>} : memref<32768xf32, #tpu.memory_space<vmem>>, vector<16xf32>,
        tpu.vector_store %arg15[%parallel_loop3A_152], %parallel_loop3A_151 {add = true, strides = array<i32>} : memref<32768xf32, #tpu.memory_space<vmem>>, vector<16xf32>,
        %parallel_loop3A_154 = arith.constant 8192 : i32
        %parallel_loop3A_155 = arith.addi %parallel_loop3A_154, %parallel_loop3A_57 : i32
        %parallel_loop3A_156 = arith.index_cast %parallel_loop3A_155 : i32 to index
        %parallel_loop3A_157 = tpu.vector_load %arg12[%parallel_loop3A_156] {strides = array<i32>} : memref<16384xi32, #tpu.memory_space<vmem>>, vector<16xi32>,
        %parallel_loop3A_158 = arith.constant 8 : i32
        %parallel_loop3A_159 = vector.broadcast %parallel_loop3A_158 : i32 to vector<16xi32>
        %parallel_loop3A_160 = arith.shrui %parallel_loop3A_157, %parallel_loop3A_159 : vector<16xi32>
        %parallel_loop3A_161 = arith.constant 255 : i32
        %parallel_loop3A_162 = vector.broadcast %parallel_loop3A_161 : i32 to vector<16xi32>
        %parallel_loop3A_163 = arith.andi %parallel_loop3A_160, %parallel_loop3A_162 : vector<16xi32>
        %parallel_loop3A_164 = arith.constant 255 : i32
        %parallel_loop3A_165 = vector.broadcast %parallel_loop3A_164 : i32 to vector<16xi32>
        %parallel_loop3A_166 = arith.andi %parallel_loop3A_157, %parallel_loop3A_165 : vector<16xi32>
        %parallel_loop3A_167 = tpu.vector_load_idx %arg9[%parallel_loop3A_163, %parallel_loop3A_166] : memref<224x224xf32, #tpu.memory_space<vmem>>[vector<16xi32>, vector<16xi32>], vector<16xf32>,
        %parallel_loop3A_168 = arith.subf %parallel_loop3A_59, %parallel_loop3A_167 : vector<16xf32>
        %parallel_loop3A_169 = arith.constant 16 : i32
        %parallel_loop3A_170 = vector.broadcast %parallel_loop3A_169 : i32 to vector<16xi32>
        %parallel_loop3A_171 = arith.shrui %parallel_loop3A_157, %parallel_loop3A_170 : vector<16xi32>
        %parallel_loop3A_172 = arith.constant 8 : i32
        %parallel_loop3A_173 = vector.broadcast %parallel_loop3A_172 : i32 to vector<16xi32>
        %parallel_loop3A_174 = arith.shrui %parallel_loop3A_171, %parallel_loop3A_173 : vector<16xi32>
        %parallel_loop3A_175 = arith.constant 255 : i32
        %parallel_loop3A_176 = vector.broadcast %parallel_loop3A_175 : i32 to vector<16xi32>
        %parallel_loop3A_177 = arith.andi %parallel_loop3A_174, %parallel_loop3A_176 : vector<16xi32>
        %parallel_loop3A_178 = arith.constant 255 : i32
        %parallel_loop3A_179 = vector.broadcast %parallel_loop3A_178 : i32 to vector<16xi32>
        %parallel_loop3A_180 = arith.andi %parallel_loop3A_171, %parallel_loop3A_179 : vector<16xi32>
        %parallel_loop3A_181 = tpu.vector_load_idx %arg9[%parallel_loop3A_177, %parallel_loop3A_180] : memref<224x224xf32, #tpu.memory_space<vmem>>[vector<16xi32>, vector<16xi32>], vector<16xf32>,
        %parallel_loop3A_182 = arith.subf %parallel_loop3A_59, %parallel_loop3A_181 : vector<16xf32>
        %parallel_loop3A_183 = arith.constant 16384 : i32
        %parallel_loop3A_184 = arith.addi %parallel_loop3A_183, %parallel_loop3A_57 : i32
        %parallel_loop3A_185 = arith.mulf %parallel_loop3A_168, %parallel_loop3A_168 : vector<16xf32>
        %parallel_loop3A_186 = arith.index_cast %parallel_loop3A_184 : i32 to index
        %parallel_loop3A_187 = tpu.vector_load %arg15[%parallel_loop3A_186] {strides = array<i32>} : memref<32768xf32, #tpu.memory_space<vmem>>, vector<16xf32>,
        tpu.vector_store %arg15[%parallel_loop3A_186], %parallel_loop3A_185 {add = true, strides = array<i32>} : memref<32768xf32, #tpu.memory_space<vmem>>, vector<16xf32>,
        %parallel_loop3A_188 = arith.constant 20480 : i32
        %parallel_loop3A_189 = arith.addi %parallel_loop3A_188, %parallel_loop3A_57 : i32
        %parallel_loop3A_190 = arith.mulf %parallel_loop3A_182, %parallel_loop3A_182 : vector<16xf32>
        %parallel_loop3A_191 = arith.index_cast %parallel_loop3A_189 : i32 to index
        %parallel_loop3A_192 = tpu.vector_load %arg15[%parallel_loop3A_191] {strides = array<i32>} : memref<32768xf32, #tpu.memory_space<vmem>>, vector<16xf32>,
        tpu.vector_store %arg15[%parallel_loop3A_191], %parallel_loop3A_190 {add = true, strides = array<i32>} : memref<32768xf32, #tpu.memory_space<vmem>>, vector<16xf32>,
        %parallel_loop3A_193 = arith.constant 12288 : i32
        %parallel_loop3A_194 = arith.addi %parallel_loop3A_193, %parallel_loop3A_57 : i32
        %parallel_loop3A_195 = arith.index_cast %parallel_loop3A_194 : i32 to index
        %parallel_loop3A_196 = tpu.vector_load %arg12[%parallel_loop3A_195] {strides = array<i32>} : memref<16384xi32, #tpu.memory_space<vmem>>, vector<16xi32>,
        %parallel_loop3A_197 = arith.constant 8 : i32
        %parallel_loop3A_198 = vector.broadcast %parallel_loop3A_197 : i32 to vector<16xi32>
        %parallel_loop3A_199 = arith.shrui %parallel_loop3A_196, %parallel_loop3A_198 : vector<16xi32>
        %parallel_loop3A_200 = arith.constant 255 : i32
        %parallel_loop3A_201 = vector.broadcast %parallel_loop3A_200 : i32 to vector<16xi32>
        %parallel_loop3A_202 = arith.andi %parallel_loop3A_199, %parallel_loop3A_201 : vector<16xi32>
        %parallel_loop3A_203 = arith.constant 255 : i32
        %parallel_loop3A_204 = vector.broadcast %parallel_loop3A_203 : i32 to vector<16xi32>
        %parallel_loop3A_205 = arith.andi %parallel_loop3A_196, %parallel_loop3A_204 : vector<16xi32>
        %parallel_loop3A_206 = tpu.vector_load_idx %arg9[%parallel_loop3A_202, %parallel_loop3A_205] : memref<224x224xf32, #tpu.memory_space<vmem>>[vector<16xi32>, vector<16xi32>], vector<16xf32>,
        %parallel_loop3A_207 = arith.subf %parallel_loop3A_59, %parallel_loop3A_206 : vector<16xf32>
        %parallel_loop3A_208 = arith.constant 16 : i32
        %parallel_loop3A_209 = vector.broadcast %parallel_loop3A_208 : i32 to vector<16xi32>
        %parallel_loop3A_210 = arith.shrui %parallel_loop3A_196, %parallel_loop3A_209 : vector<16xi32>
        %parallel_loop3A_211 = arith.constant 8 : i32
        %parallel_loop3A_212 = vector.broadcast %parallel_loop3A_211 : i32 to vector<16xi32>
        %parallel_loop3A_213 = arith.shrui %parallel_loop3A_210, %parallel_loop3A_212 : vector<16xi32>
        %parallel_loop3A_214 = arith.constant 255 : i32
        %parallel_loop3A_215 = vector.broadcast %parallel_loop3A_214 : i32 to vector<16xi32>
        %parallel_loop3A_216 = arith.andi %parallel_loop3A_213, %parallel_loop3A_215 : vector<16xi32>
        %parallel_loop3A_217 = arith.constant 255 : i32
        %parallel_loop3A_218 = vector.broadcast %parallel_loop3A_217 : i32 to vector<16xi32>
        %parallel_loop3A_219 = arith.andi %parallel_loop3A_210, %parallel_loop3A_218 : vector<16xi32>
        %parallel_loop3A_220 = tpu.vector_load_idx %arg9[%parallel_loop3A_216, %parallel_loop3A_219] : memref<224x224xf32, #tpu.memory_space<vmem>>[vector<16xi32>, vector<16xi32>], vector<16xf32>,
        %parallel_loop3A_221 = arith.subf %parallel_loop3A_59, %parallel_loop3A_220 : vector<16xf32>
        %parallel_loop3A_222 = arith.constant 24576 : i32
        %parallel_loop3A_223 = arith.addi %parallel_loop3A_222, %parallel_loop3A_57 : i32
        %parallel_loop3A_224 = arith.mulf %parallel_loop3A_207, %parallel_loop3A_207 : vector<16xf32>
        %parallel_loop3A_225 = arith.index_cast %parallel_loop3A_223 : i32 to index
        %parallel_loop3A_226 = tpu.vector_load %arg15[%parallel_loop3A_225] {strides = array<i32>} : memref<32768xf32, #tpu.memory_space<vmem>>, vector<16xf32>,
        tpu.vector_store %arg15[%parallel_loop3A_225], %parallel_loop3A_224 {add = true, strides = array<i32>} : memref<32768xf32, #tpu.memory_space<vmem>>, vector<16xf32>,
        %parallel_loop3A_227 = arith.constant 28672 : i32
        %parallel_loop3A_228 = arith.addi %parallel_loop3A_227, %parallel_loop3A_57 : i32
        %parallel_loop3A_229 = arith.mulf %parallel_loop3A_221, %parallel_loop3A_221 : vector<16xf32>
        %parallel_loop3A_230 = arith.index_cast %parallel_loop3A_228 : i32 to index
        %parallel_loop3A_231 = tpu.vector_load %arg15[%parallel_loop3A_230] {strides = array<i32>} : memref<32768xf32, #tpu.memory_space<vmem>>, vector<16xf32>,
        tpu.vector_store %arg15[%parallel_loop3A_230], %parallel_loop3A_229 {add = true, strides = array<i32>} : memref<32768xf32, #tpu.memory_space<vmem>>, vector<16xf32>,
      } {sc.loop_unroll_factor = 4 : i64, sc.parallel_access}
      %scan3A_54 = arith.constant 0 : i32
      scf.yield %scan3A_54 : i32
    }
    %scan3A_44 = arith.constant 24 : i32
    "tpu.region"() ({
      %run_scoped3A = tpu.sem_alloc : memref<!tpu.dma_semaphore, #tpu.memory_space<semaphore_mem>>
      %dma_start3A = arith.constant 0 : i32
      %dma_start3A_45 = tpu.memref_slice %arg7[%select_n3A_30, %select_n3A, %dma_start3A] : memref<4x8x4096xf32, #tpu.memory_space<hbm>> -> memref<1x1x4096xf32, #tpu.memory_space<hbm>>
      %dma_start3A_46 = tpu.memref_squeeze %dma_start3A_45 : memref<1x1x4096xf32, #tpu.memory_space<hbm>> -> memref<4096xf32, #tpu.memory_space<hbm>>
      %dma_start3A_47 = arith.constant 0 : i32
      %dma_start3A_48 = tpu.memref_slice %arg7[%select_n3A_30, %select_n3A, %dma_start3A_47] : memref<4x8x4096xf32, #tpu.memory_space<hbm>> -> memref<1x1x4096xf32, #tpu.memory_space<hbm>>
      %dma_start3A_49 = tpu.memref_squeeze %dma_start3A_48 : memref<1x1x4096xf32, #tpu.memory_space<hbm>> -> memref<4096xf32, #tpu.memory_space<hbm>>
      tpu.enqueue_dma source(%arg14 : memref<4096xf32, #tpu.memory_space<vmem>>) target(%dma_start3A_49 : memref<4096xf32, #tpu.memory_space<hbm>>) target_semaphore(%run_scoped3A : memref<!tpu.dma_semaphore, #tpu.memory_space<semaphore_mem>>)
      %dma_wait3A = arith.constant 0 : i32
      %dma_wait3A_50 = tpu.memref_slice %arg7[%select_n3A_30, %select_n3A, %dma_wait3A] : memref<4x8x4096xf32, #tpu.memory_space<hbm>> -> memref<1x1x4096xf32, #tpu.memory_space<hbm>>
      %dma_wait3A_51 = tpu.memref_squeeze %dma_wait3A_50 : memref<1x1x4096xf32, #tpu.memory_space<hbm>> -> memref<4096xf32, #tpu.memory_space<hbm>>
      %dma_wait3A_52 = arith.constant 0 : i32
      %dma_wait3A_53 = tpu.memref_slice %arg7[%select_n3A_30, %select_n3A, %dma_wait3A_52] : memref<4x8x4096xf32, #tpu.memory_space<hbm>> -> memref<1x1x4096xf32, #tpu.memory_space<hbm>>
      %dma_wait3A_54 = tpu.memref_squeeze %dma_wait3A_53 : memref<1x1x4096xf32, #tpu.memory_space<hbm>> -> memref<4096xf32, #tpu.memory_space<hbm>>
      tpu.wait_dma2 semaphore(%run_scoped3A : memref<!tpu.dma_semaphore, #tpu.memory_space<semaphore_mem>>) src(%arg14 : memref<4096xf32, #tpu.memory_space<vmem>>) dst(%dma_wait3A_54 : memref<4096xf32, #tpu.memory_space<hbm>>)
      tpu.yield
    }) : () -> ()
    "tpu.region"() ({
      %run_scoped3A = tpu.sem_alloc : memref<!tpu.dma_semaphore, #tpu.memory_space<semaphore_mem>>
      %dma_start3A = arith.constant 0 : i32
      %dma_start3A_45 = tpu.memref_slice %arg8[%select_n3A_30, %select_n3A, %dma_start3A] : memref<4x8x32768xf32, #tpu.memory_space<hbm>> -> memref<1x1x32768xf32, #tpu.memory_space<hbm>>
      %dma_start3A_46 = tpu.memref_squeeze %dma_start3A_45 : memref<1x1x32768xf32, #tpu.memory_space<hbm>> -> memref<32768xf32, #tpu.memory_space<hbm>>
      %dma_start3A_47 = arith.constant 0 : i32
      %dma_start3A_48 = tpu.memref_slice %arg8[%select_n3A_30, %select_n3A, %dma_start3A_47] : memref<4x8x32768xf32, #tpu.memory_space<hbm>> -> memref<1x1x32768xf32, #tpu.memory_space<hbm>>
      %dma_start3A_49 = tpu.memref_squeeze %dma_start3A_48 : memref<1x1x32768xf32, #tpu.memory_space<hbm>> -> memref<32768xf32, #tpu.memory_space<hbm>>
      tpu.enqueue_dma source(%arg15 : memref<32768xf32, #tpu.memory_space<vmem>>) target(%dma_start3A_49 : memref<32768xf32, #tpu.memory_space<hbm>>) target_semaphore(%run_scoped3A : memref<!tpu.dma_semaphore, #tpu.memory_space<semaphore_mem>>)
      %dma_wait3A = arith.constant 0 : i32
      %dma_wait3A_50 = tpu.memref_slice %arg8[%select_n3A_30, %select_n3A, %dma_wait3A] : memref<4x8x32768xf32, #tpu.memory_space<hbm>> -> memref<1x1x32768xf32, #tpu.memory_space<hbm>>
      %dma_wait3A_51 = tpu.memref_squeeze %dma_wait3A_50 : memref<1x1x32768xf32, #tpu.memory_space<hbm>> -> memref<32768xf32, #tpu.memory_space<hbm>>
      %dma_wait3A_52 = arith.constant 0 : i32
      %dma_wait3A_53 = tpu.memref_slice %arg8[%select_n3A_30, %select_n3A, %dma_wait3A_52] : memref<4x8x32768xf32, #tpu.memory_space<hbm>> -> memref<1x1x32768xf32, #tpu.memory_space<hbm>>
      %dma_wait3A_54 = tpu.memref_squeeze %dma_wait3A_53 : memref<1x1x32768xf32, #tpu.memory_space<hbm>> -> memref<32768xf32, #tpu.memory_space<hbm>>
      tpu.wait_dma2 semaphore(%run_scoped3A : memref<!tpu.dma_semaphore, #tpu.memory_space<semaphore_mem>>) src(%arg15 : memref<32768xf32, #tpu.memory_space<vmem>>) dst(%dma_wait3A_54 : memref<32768xf32, #tpu.memory_space<hbm>>)
      tpu.yield
    }) : () -> ()
    return
  }
}

module attributes {stable_mosaic.version = 14 : i64} {
  func.func @_final_kernel(%arg0: memref<4x8x4096xf32, #tpu.memory_space<vmem>>, %arg1: memref<4x8x32768xf32, #tpu.memory_space<vmem>>, %arg2: memref<1x1xf32, #tpu.memory_space<smem>>) attributes {dimension_semantics = [], scalar_prefetch = 0 : i64, scratch_operands = 0 : i64, tpu.core_type = #tpu.core_type<tc>} {
    %get3A = arith.constant 0 : index
    %get3A_0 = arith.constant 0 : index
    %get3A_1 = arith.constant 0 : index
    %get3A_2 = vector.load %arg0[%get3A, %get3A_0, %get3A_1] : memref<4x8x4096xf32, #tpu.memory_space<vmem>>, vector<1x8x4096xf32>
    %get3A_3 = vector.shape_cast %get3A_2 : vector<1x8x4096xf32> to vector<8x4096xf32>
    %get3A_4 = arith.constant 1 : index
    %get3A_5 = arith.constant 0 : index
    %get3A_6 = arith.constant 0 : index
    %get3A_7 = vector.load %arg0[%get3A_4, %get3A_5, %get3A_6] : memref<4x8x4096xf32, #tpu.memory_space<vmem>>, vector<1x8x4096xf32>
    %get3A_8 = vector.shape_cast %get3A_7 : vector<1x8x4096xf32> to vector<8x4096xf32>
    %add3A = arith.addf %get3A_3, %get3A_8 : vector<8x4096xf32>
    %get3A_9 = arith.constant 2 : index
    %get3A_10 = arith.constant 0 : index
    %get3A_11 = arith.constant 0 : index
    %get3A_12 = vector.load %arg0[%get3A_9, %get3A_10, %get3A_11] : memref<4x8x4096xf32, #tpu.memory_space<vmem>>, vector<1x8x4096xf32>
    %get3A_13 = vector.shape_cast %get3A_12 : vector<1x8x4096xf32> to vector<8x4096xf32>
    %add3A_14 = arith.addf %add3A, %get3A_13 : vector<8x4096xf32>
    %get3A_15 = arith.constant 3 : index
    %get3A_16 = arith.constant 0 : index
    %get3A_17 = arith.constant 0 : index
    %get3A_18 = vector.load %arg0[%get3A_15, %get3A_16, %get3A_17] : memref<4x8x4096xf32, #tpu.memory_space<vmem>>, vector<1x8x4096xf32>
    %get3A_19 = vector.shape_cast %get3A_18 : vector<1x8x4096xf32> to vector<8x4096xf32>
    %add3A_20 = arith.addf %add3A_14, %get3A_19 : vector<8x4096xf32>
    %add3A_21 = arith.constant 1.000000e-07 : f32
    %add3A_22 = vector.broadcast %add3A_21 : f32 to vector<8x4096xf32>
    %add3A_23 = arith.addf %add3A_20, %add3A_22 : vector<8x4096xf32>
    %sqrt3A = math.sqrt %add3A_23 : vector<8x4096xf32>
    %get3A_24 = arith.constant 0 : index
    %get3A_25 = arith.constant 0 : index
    %get3A_26 = arith.constant 0 : index
    %get3A_27 = vector.load %arg1[%get3A_24, %get3A_25, %get3A_26] : memref<4x8x32768xf32, #tpu.memory_space<vmem>>, vector<1x8x32768xf32>
    %get3A_28 = vector.shape_cast %get3A_27 : vector<1x8x32768xf32> to vector<8x32768xf32>
    %get3A_29 = arith.constant 1 : index
    %get3A_30 = arith.constant 0 : index
    %get3A_31 = arith.constant 0 : index
    %get3A_32 = vector.load %arg1[%get3A_29, %get3A_30, %get3A_31] : memref<4x8x32768xf32, #tpu.memory_space<vmem>>, vector<1x8x32768xf32>
    %get3A_33 = vector.shape_cast %get3A_32 : vector<1x8x32768xf32> to vector<8x32768xf32>
    %add3A_34 = arith.addf %get3A_28, %get3A_33 : vector<8x32768xf32>
    %get3A_35 = arith.constant 2 : index
    %get3A_36 = arith.constant 0 : index
    %get3A_37 = arith.constant 0 : index
    %get3A_38 = vector.load %arg1[%get3A_35, %get3A_36, %get3A_37] : memref<4x8x32768xf32, #tpu.memory_space<vmem>>, vector<1x8x32768xf32>
    %get3A_39 = vector.shape_cast %get3A_38 : vector<1x8x32768xf32> to vector<8x32768xf32>
    %add3A_40 = arith.addf %add3A_34, %get3A_39 : vector<8x32768xf32>
    %get3A_41 = arith.constant 3 : index
    %get3A_42 = arith.constant 0 : index
    %get3A_43 = arith.constant 0 : index
    %get3A_44 = vector.load %arg1[%get3A_41, %get3A_42, %get3A_43] : memref<4x8x32768xf32, #tpu.memory_space<vmem>>, vector<1x8x32768xf32>
    %get3A_45 = vector.shape_cast %get3A_44 : vector<1x8x32768xf32> to vector<8x32768xf32>
    %add3A_46 = arith.addf %add3A_40, %get3A_45 : vector<8x32768xf32>
    %add3A_47 = arith.constant 1.000000e-07 : f32
    %add3A_48 = vector.broadcast %add3A_47 : f32 to vector<8x32768xf32>
    %add3A_49 = arith.addf %add3A_46, %add3A_48 : vector<8x32768xf32>
    %sqrt3A_50 = math.sqrt %add3A_49 : vector<8x32768xf32>
    %slice3A = vector.extract_strided_slice %sqrt3A_50 {offsets = [0, 0], sizes = [8, 4096], strides = [1, 1]} : vector<8x32768xf32> to vector<8x4096xf32>
    %slice3A_51 = vector.extract_strided_slice %sqrt3A_50 {offsets = [0, 4096], sizes = [8, 4096], strides = [1, 1]} : vector<8x32768xf32> to vector<8x4096xf32>
    %add3A_52 = arith.addf %slice3A, %slice3A_51 : vector<8x4096xf32>
    %slice3A_53 = vector.extract_strided_slice %sqrt3A_50 {offsets = [0, 8192], sizes = [8, 4096], strides = [1, 1]} : vector<8x32768xf32> to vector<8x4096xf32>
    %add3A_54 = arith.addf %add3A_52, %slice3A_53 : vector<8x4096xf32>
    %slice3A_55 = vector.extract_strided_slice %sqrt3A_50 {offsets = [0, 12288], sizes = [8, 4096], strides = [1, 1]} : vector<8x32768xf32> to vector<8x4096xf32>
    %add3A_56 = arith.addf %add3A_54, %slice3A_55 : vector<8x4096xf32>
    %slice3A_57 = vector.extract_strided_slice %sqrt3A_50 {offsets = [0, 16384], sizes = [8, 4096], strides = [1, 1]} : vector<8x32768xf32> to vector<8x4096xf32>
    %add3A_58 = arith.addf %add3A_56, %slice3A_57 : vector<8x4096xf32>
    %slice3A_59 = vector.extract_strided_slice %sqrt3A_50 {offsets = [0, 20480], sizes = [8, 4096], strides = [1, 1]} : vector<8x32768xf32> to vector<8x4096xf32>
    %add3A_60 = arith.addf %add3A_58, %slice3A_59 : vector<8x4096xf32>
    %slice3A_61 = vector.extract_strided_slice %sqrt3A_50 {offsets = [0, 24576], sizes = [8, 4096], strides = [1, 1]} : vector<8x32768xf32> to vector<8x4096xf32>
    %add3A_62 = arith.addf %add3A_60, %slice3A_61 : vector<8x4096xf32>
    %slice3A_63 = vector.extract_strided_slice %sqrt3A_50 {offsets = [0, 28672], sizes = [8, 4096], strides = [1, 1]} : vector<8x32768xf32> to vector<8x4096xf32>
    %add3A_64 = arith.addf %add3A_62, %slice3A_63 : vector<8x4096xf32>
    %mul3A = arith.constant 1.250000e-01 : f32
    %mul3A_65 = vector.broadcast %mul3A : f32 to vector<8x4096xf32>
    %mul3A_66 = arith.mulf %add3A_64, %mul3A_65 : vector<8x4096xf32>
    %sub3A = arith.subf %sqrt3A, %mul3A_66 : vector<8x4096xf32>
    %add3A_67 = arith.constant 5.000000e-01 : f32
    %add3A_68 = vector.broadcast %add3A_67 : f32 to vector<8x4096xf32>
    %add3A_69 = arith.addf %sub3A, %add3A_68 : vector<8x4096xf32>
    %max3A = arith.constant 0.000000e+00 : f32
    %max3A_70 = vector.broadcast %max3A : f32 to vector<8x4096xf32>
    %max3A_71 = arith.maximumf %add3A_69, %max3A_70 : vector<8x4096xf32>
    %reduce_sum3A = vector.shape_cast %max3A_71 : vector<8x4096xf32> to vector<1x8x4096xf32>
    %reduce_sum3A_72 = arith.constant dense<0.000000e+00> : vector<1xf32>
    %reduce_sum3A_73 = vector.multi_reduction <add>, %reduce_sum3A, %reduce_sum3A_72 [1, 2] : vector<1x8x4096xf32> to vector<1xf32>
    %reduce_sum3A_74 = vector.shape_cast %reduce_sum3A_73 : vector<1xf32> to vector<1x1x1xf32>
    %reduce_sum3A_75 = vector.extract %reduce_sum3A_74[0, 0, 0] : f32 from vector<1x1x1xf32>
    %div3A = arith.constant 3.276800e+04 : f32
    %div3A_76 = arith.divf %reduce_sum3A_75, %div3A : f32
    %swap3A = arith.constant 0 : index
    %swap3A_77 = arith.constant 0 : index
    %swap3A_78 = memref.load %arg2[%swap3A, %swap3A_77] : memref<1x1xf32, #tpu.memory_space<smem>>
    memref.store %div3A_76, %arg2[%swap3A, %swap3A_77] : memref<1x1xf32, #tpu.memory_space<smem>>
    return
  }
}

</mosaic_0001>

<sc_bundles>
// kernel: kernel.4.cloned.1.call-start
scs
__scs_entry_jumppad:
0x0: {  	(pc) =	sbr.rel $0x88, $3  }
0x1: {  	(tag) =	ssettag $0x0;
	lr =	simm.s32 $0x1  }
0x2: {  	[smem:$0x3F9C] =	sst lr;
	_ =	strace $0xD0000000  }
0x3: {  	_ = 	snop  }
0x4: {  	_ = 	snop  }
0x5: {  	_ = 	snop  }
0x6: {  	_ = 	snop  }
0x7: {  	_ = 	snop  }
__scs_overlays_trampoline_lowered:
0x8: {  	[smem:$0x3FAB] =	sst s0  }
0x9: {  	[smem:$0x3FAC] =	sst s1  }
0xa: {  	[smem:$0x3FAD] =	sst s2  }
0xb: {  	[smem:$0x3FAE] =	sst s3  }
0xc: {  	[smem:$0x3FAF] =	sst s4  }
0xd: {  	[smem:$0x3FB0] =	sst s5  }
0xe: {  	[smem:$0x3FB1] =	sst s6  }
0xf: {  	[smem:$0x3FB2] =	sst s7  }
0x10: {  	[smem:$0x3FB3] =	sst s8  }
0x11: {  	[smem:$0x3FB4] =	sst s9;
	s0 =	simm.s32 @!p0 $0x0  }
0x12: {  	s1 =	sld [smem:$0x3F9A];
	s0 =	simm.s32 @p0 $0x1  }
0x13: {  	[smem:$0x3FB5] =	sst s0;
	s0 =	simm.s32 @!p1 $0x0  }
0x14: {  	s2 =	sld [smem:$0x3F99];
	s0 =	simm.s32 @p1 $0x1  }
0x15: {  	[smem:$0x3FB6] =	sst s0;
	s0 =	simm.s32 @!p2 $0x0  }
0x16: {  	s3 =	sld [smem:$0x3FDB];
	s0 =	simm.s32 @p2 $0x1  }
0x17: {  	s4 =	simm.s32 $0x1BF5;
	[smem:$0x3FB8] =	sst s0  }
0x18: {  	s0 =	sld [smem:$0x3F9B];
	_ =	swait.ge [sflag:s4], $0x0  }
0x19: {  	s7 =	sld [smem:$0x3F9C]  }
0x1a: {  	s8 =	sadd.s32 $0xFFFFE003, lr  }
0x1b: {  	s9 =	sadd.s32 $0xFFFFFEF7, lr;
	s5 =	simm.s32 $0xFFFFFFFF;
	p2 =	slt.u32 s8, $0xFFFFF086  }
0x1c: {  	p1 =	slt.u32 s9, $0xF7A;
	s5 =	simm.s32 @!p2 $0x0  }
0x1d: {  	s5 =	simm.s32 @p1 $0x1;
	p0 =	seq.s32 s7, s2  }
0x1e: {  	s7 =	smul.u32 @!p0 $0xF7A, s2;
	p2 =	seq.s32 @!p0 s5, $0x0  }
0x1f: {  	s9 =	smul.u32 $0xF7A, s1;
	s8 =	simm.s32 @!p0 $0x1BF5;
	p2 =	por !p2, p0  }
0x20: {  	[sflag:s8] =	ssyncset.s32 @!p0 $0xFFFFF086;
	s6 =	sadd.s32 @!p0 s3, s7;
	s7 =	simm.s32 @!p0 $0x108  }
0x21: {  	s3 =	sadd.s32 s3, s9;
	s6 =	sadd.s32 @!p0 $0x88, s6;
	s7 =	simm.s32 @p2 $0x1082  }
0x22: {  	[simem:s7], [sflag:s8] =	dma.local @!p0 [hbm:s6], $0xF7A  }
0x23: {  	s9 =	sor.u32 $0xD0000000, s2;
	s6 =	simm.s32 $0x108;
	_ =	swait.ge @!p0 [sflag:s8], $0x0  }
0x24: {  	s3 =	sadd.s32 $0x88, s3;
	s6 =	simm.s32 @!p1 $0x1082;
	[sflag:s4] =	ssyncset.s32 $0xFFFFF086  }
0x25: {  	[simem:s6], [sflag:s4] =	dma.local [hbm:s3], $0xF7A  }
0x26: {  	[smem:$0x3F9C] =	sst s1;
	(tag) =	ssettag s2;
	_ =	strace s9  }
0x27: {  	s1 =	sld [smem:$0x3FAC]  }
0x28: {  	s2 =	sld [smem:$0x3FAD]  }
0x29: {  	s4 =	sld [smem:$0x3FAF]  }
0x2a: {  	p0 =	seq.s32 s5, $0x0;
	s5 =	sld [smem:$0x3FB0]  }
0x2b: {  	s6 =	sld [smem:$0x3FB1]  }
0x2c: {  	s7 =	sld [smem:$0x3FB2]  }
0x2d: {  	s3 =	simm.s32 $0x108;
	s8 =	sld [smem:$0x3FB3]  }
0x2e: {  	s3 =	simm.s32 @!p0 $0x1082;
	s9 =	sld [smem:$0x3FB4]  }
0x2f: {  	lr =	sadd.s32 s0, s3;
	s0 =	sld [smem:$0x3FAB]  }
0x30: {  	s3 =	sld [smem:$0x3FAE]  }
0x31: {  	[smem:$0x3FB7] =	sst s10  }
0x32: {  	s10 =	sld [smem:$0x3FB5];
	_ =	sdelay $0x3  }
0x33: {  	p0 =	seq.s32 s10, $0x1;
	s10 =	sld [smem:$0x3FB7];
	_ =	sdelay $0x3  }
0x34: {  	[smem:$0x3FB7] =	sst s10  }
0x35: {  	s10 =	sld [smem:$0x3FB6];
	_ =	sdelay $0x3  }
0x36: {  	p1 =	seq.s32 s10, $0x1;
	s10 =	sld [smem:$0x3FB7];
	_ =	sdelay $0x3  }
0x37: {  	[smem:$0x3FB7] =	sst s10  }
0x38: {  	s10 =	sld [smem:$0x3FB8]  }
0x39: {  	_ = 	snop;
	(pc) =	sbr.ind lr, $3  }
0x3a: {  	_ = 	snop  }
0x3b: {  	_ = 	snop  }
0x3c: {  	p2 =	seq.s32 s10, $0x1;
	s10 =	sld [smem:$0x3FB7]  }
0x3d: {  	_ =	shalt  }
0x3e: {  	_ =	shalt  }
0x3f: {  	_ =	shalt  }
0x40: {  	_ =	shalt  }
0x41: {  	_ =	shalt  }
0x42: {  	_ =	shalt  }
0x43: {  	_ =	shalt  }
0x44: {  	_ =	shalt  }
0x45: {  	_ =	shalt  }
0x46: {  	_ =	shalt  }
0x47: {  	_ =	shalt  }
0x48: {  	_ =	shalt  }
0x49: {  	_ =	shalt  }
0x4a: {  	_ =	shalt  }
0x4b: {  	_ =	shalt  }
0x4c: {  	_ =	shalt  }
0x4d: {  	_ =	shalt  }
0x4e: {  	_ =	shalt  }
0x4f: {  	_ =	shalt  }
0x50: {  	_ =	shalt  }
0x51: {  	_ =	shalt  }
0x52: {  	_ =	shalt  }
0x53: {  	_ =	shalt  }
0x54: {  	_ =	shalt  }
0x55: {  	_ =	shalt  }
0x56: {  	_ =	shalt  }
0x57: {  	_ =	shalt  }
0x58: {  	_ =	shalt  }
0x59: {  	_ =	shalt  }
0x5a: {  	_ =	shalt  }
0x5b: {  	_ =	shalt  }
0x5c: {  	_ =	shalt  }
0x5d: {  	_ =	shalt  }
0x5e: {  	_ =	shalt  }
0x5f: {  	_ =	shalt  }
0x60: {  	_ =	shalt  }
0x61: {  	_ =	shalt  }
0x62: {  	_ =	shalt  }
0x63: {  	_ =	shalt  }
0x64: {  	_ =	shalt  }
0x65: {  	_ =	shalt  }
0x66: {  	_ =	shalt  }
0x67: {  	_ =	shalt  }
0x68: {  	_ =	shalt  }
0x69: {  	_ =	shalt  }
0x6a: {  	_ =	shalt  }
0x6b: {  	_ =	shalt  }
0x6c: {  	_ =	shalt  }
0x6d: {  	_ =	shalt  }
0x6e: {  	_ =	shalt  }
0x6f: {  	_ =	shalt  }
0x70: {  	_ =	shalt  }
0x71: {  	_ =	shalt  }
0x72: {  	_ =	shalt  }
0x73: {  	_ =	shalt  }
0x74: {  	_ =	shalt  }
0x75: {  	_ =	shalt  }
0x76: {  	_ =	shalt  }
0x77: {  	_ =	shalt  }
0x78: {  	_ =	shalt  }
0x79: {  	_ =	shalt  }
0x7a: {  	_ =	shalt  }
0x7b: {  	_ =	shalt  }
0x7c: {  	_ =	shalt  }
0x7d: {  	_ =	shalt  }
0x7e: {  	_ =	shalt  }
0x7f: {  	_ =	shalt  }
0x80: {  	_ =	shalt  }
0x81: {  	_ =	shalt  }
0x82: {  	_ =	shalt  }
0x83: {  	_ =	shalt  }
0x84: {  	_ =	shalt  }
0x85: {  	_ =	shalt  }
0x86: {  	_ =	shalt  }
0x87: {  	_ =	shalt  }
.Lfunc_end0:
.L_simem_size_0:
called_computation_lowered:
.L_overlay_start_0:
0x88: {  	s2 =	sld [smem:$0x3FD9]  }
0x89: {  	s3 =	sld [smem:$0x3FFE];
	_ =	sdelay $0x1  }
0x8a: {  	s1 =	srdreg.scid  }
0x8b: {  	s0 =	sand.u32 $0x1, s1  }
0x8c: {  	s17 =	sshll.u32 s0, $0xA;
	s2 =	sadd.s32 s3, s2  }
0x8d: {  	s2 =	sadd.s32 s2, s17  }
0x8e: {  	[smem:$0x3FC3] =	sst s2  }
0x8f: {  	_ = 	snop  }
0x90: {  	s2 =	sld [smem:$0x3FC9]  }
0x91: {  	s18 =	sld [smem:$0x3FC8];
	(tm) =	ssettm $0x1  }
0x92: {  	s4 =	sld [smem:$0x3FFB];
	_ =	sdelay $0x3  }
0x93: {  	_ =	strace s4  }
0x94: {  	s4 =	sld [smem:$0x3FFC];
	_ =	sdelay $0x3  }
0x95: {  	_ =	strace s4  }
0x96: {  	s4 =	sld [smem:$0x3FFD];
	_ =	sdelay $0x3  }
0x97: {  	_ =	strace s4  }
0x98: {  	_ =	strace $0x8FFFFFFF  }
0x99: {  	s19 =	sld [smem:$0x3FDB];
	_ =	sdelay $0x1  }
0x9a: {  	s5 =	simm.s32 $_scs_section_size  }
0x9b: {  	s6 =	simm.s32 $_size__tile_overlayer_lowered;
	s7 =	simm.s32 $_tile_overlayer_lowered  }
0x9c: {  	s22 =	simm.s32 $0x1BFF;
	s21 =	sshll.u32 s7, $0x1;
	s4 =	sadd.s32 s5, s19  }
0x9d: {  	s8 =	simm.s32 $0x0;
	s20 =	sshll.u32 s6, $0x1;
	s6 =	sadd.s32 s21, s4  }
0x9e: {  	[timem:s8], [sflag:s22] =	dma.local [hbm:s6], s20  }
0x9f: {  	_ =	swait.ge [sflag:s22], s20  }
0xa0: {  	s5 =	ssub.s32 $0x0, s20;
	[sflag:s22] =	ssyncset.done $0x0  }
0xa1: {  	[sflag:s22] =	ssyncadd.s32 s5;
	_ =	sdelay $0x1  }
0xa2: {  	s23 =	simm.s32 $0x1B8B  }
0xa3: {  	_ =	swait.ge [sflag:s23], $0x1  }
0xa4: {  	[sflag:s23] =	ssyncset.done $0x0  }
0xa5: {  	s25 =	simm.s32 $0x1B8E;
	s24 =	sld [smem:$0x3FFE];
	[sflag:s23] =	ssyncadd.s32 $0xFFFFFFFF  }
0xa6: {  	s26 =	simm.s32 $execute0_lowered;
	[smem:$0x3FD2] =	sst s25  }
0xa7: {  	s6 =	sshll.u32 s26, $0x1;
	_ =	strace $0x80000046;
	[dreg:$0x1] =	wrdreg $0xFFFFFFFF  }
0xa8: {  	s28 =	simm.s32 $_size_execute0_lowered;
	s4 =	sadd.s32 s4, s6;
	[dreg:$0x0] =	wrdreg $0x0  }
0xa9: {  	s6 =	sshll.u32 s28, $0x1;
	[dreg:$0x2] =	wrdreg s4  }
0xaa: {  	[dreg:$0x3] =	wrdreg s6  }
0xab: {  	[dreg:$0x4] =	wrdreg $0xC0  }
0xac: {  	_ =	task [dreg:s8], $0x5FFFF  }
0xad: {  	[dreg:$0x1] =	wrdreg $0xFFFFFFFF  }
0xae: {  	[dreg:$0x0] =	wrdreg $0x60  }
0xaf: {  	[dreg:$0x2] =	wrdreg s2  }
0xb0: {  	[dreg:$0x3] =	wrdreg s18  }
0xb1: {  	[dreg:$0x4] =	wrdreg s24  }
0xb2: {  	[dreg:$0x5] =	wrdreg $0x9  }
0xb3: {  	_ =	task.clear_ibuf [dreg:s8], $0x6FFFF;
	_ =	strace $0x90000046  }
0xb4: {  	s29 =	simm.s32 $0x9;
	_ =	strace $0x80000048  }
0xb5: {  	_ =	swait.ge [sflag:s29], $0x1  }
0xb6: {  	[sflag:s29] =	ssyncadd.s32 $0xFFFFFFFF  }
0xb7: {  	_ =	strace $0x90000048  }
0xb8: {  	_ =	sfence  }
0xb9: {  	s30 =	sld [smem:$0x0];
	_ =	sdelay $0x2  }
0xba: {  	s31 =	sshll.u32 s1, $0xD;
	s1 =	sshrl.u32 s1, $0x2  }
0xbb: {  	s3 =	sand.u32 $0x4000, s31;
	s1 =	sadd.s32 s1, s30  }
0xbc: {  	s0 =	sor.u32 s3, s0;
	s1 =	sshll.u32 s1, $0x11  }
0xbd: {  	s0 =	sor.u32 s1, s0  }
0xbe: {  	s0 =	sadd.s32 $0x8F2B, s0  }
0xbf: {  	[sflag:s0] =	ssyncadd.remote.s32 $0x1  }
0xc0: {  	_ =	sfence.sel $0xFFFF  }
0xc1: {  	[dreg:$0x0] =	wrdreg $0xFFFFFFFF;
	(pc) =	sbr.abs _section_cstart, $3  }
0xc2: {  	[dreg:$0x1] =	wrdreg $0xFFFFFFFF  }
0xc3: {  	_ =	task.clear_ibuf [dreg:s8], $0x2FFFF;
	_ =	strace $0x9FFFFFFF  }
0xc4: {  	(tm) =	ssettm $0x7FFFFFFF  }
0xc5: {  	_ =	shalt  }
tec
execute0_lowered:
.L_overlay_start_1:
0x0: {  	(tag) =	ssettag $0x1  }
0x1: {  	s1 =	rddreg [dreg:$0x0]  }
0x2: {  	s3 =	rddreg [dreg:$0x1]  }
0x3: {  	s5 =	rddreg [dreg:$0x2]  }
0x4: {  	s0 =	rddreg [dreg:$0x3];
	s4 =	simm.s32 $0x0;
	s2 =	stileid.u32  }
0x5: {  	s6 =	srdreg.scid;
	s14 =	simm.s32 $0x400;
	s15 =	simm.s32 $0xE000  }
0x6: {  	s16 =	simm.s32 $0x1;
	s17 =	simm.s32 $0xF000;
	s18 =	simm.s32 $0x10000  }
0x7: {  	s19 =	simm.s32 $0x15000;
	s20 =	simm.s32 $0x16000;
	s21 =	simm.s32 $0x0  }
0x8: {  	[smem:$0x7FF] =	sst s4;
	s7 =	sshll.u32 s2, $0x1;
	s9 =	sshrl.u32 s2, $0x1  }
0x9: {  	s6 =	sand.u32 $0x1, s6;
	s7 =	sand.u32 $0x2, s7;
	_ =	strace $0x80000047  }
0xa: {  	s8 =	sshll.u32 s9, $0x4;
	s10 =	sshll.u32 s9, $0x7;
	s9 =	smul.u32 $0x540000, s9  }
0xb: {  	s7 =	sor.u32 s6, s7;
	s8 =	sadd.s32 s8, s5;
	s6 =	ssub.s32 $0x2, s6  }
0xc: {  	s11 =	sshll.u32 s7, $0xF;
	s12 =	sshll.u32 s7, $0x12;
	s31 =	sshrl.u32 s6, $0x1  }
0xd: {  	s11 =	sor.u32 s10, s11;
	s10 =	sor.u32 s10, s12;
	s13 =	ssub.s32 s6, s31  }
0xe: {  	s6 =	sadd.s32 $0x6800, s8;
	s11 =	sshrl.u32 s11, $0x3;
	s10 =	sshrl.u32 s10, $0x3  }
0xf: {  	s12 =	smax.u32 s13, $0x1;
	s13 =	simm.s32 $0x80;
	s11 =	sadd.s32 s11, s5  }
0x10: {  	s30 =	sadd.s32 s10, s5;
	s5 =	smul.u32 $0x18, s7;
	s7 =	sadd.s32 $0x5800, s8  }
0x11: {  	v0 =	vimm.f32 $0.0e+00;
	s8 =	sadd.s32 $0x1800, s8;
	s10 =	sadd.s32 $0x27800, s11;
	s11 =	sadd.s32 $0x7800, s30  }
.LBB2_1:
0x12: {  	[tilespmem:s15], [sflag:$0x1] =	stream.strided.gather [hbm4b:s6+s13], $0x1000, s14, s13, $0x38;
	[tilespmem:$0x1E000] =	vst v63  }
0x13: {  	_ =	swait.ge [sflag:s16], $0x1000  }
0x14: {  	[sflag:s16] =	ssyncset.done $0x0  }
0x15: {  	[sflag:s16] =	ssyncadd.s32 $0xFFFFF000  }
0x16: {  	[tilespmem:s17], [sflag:$0x1] =	stream.strided.gather [hbm4b:s7+s13], $0x1000, s14, s13, $0x38;
	[tilespmem:$0x1E000] =	vst v63  }
0x17: {  	_ =	swait.ge [sflag:s16], $0x1000  }
0x18: {  	[sflag:s16] =	ssyncset.done $0x0  }
0x19: {  	[sflag:s16] =	ssyncadd.s32 $0xFFFFF000  }
0x1a: {  	[tilespmem:s18], [sflag:$0x1] =	stream.strided.gather [hbm4b:s8+s13], $0x4000, s14, s13, $0x38;
	[tilespmem:$0x1E000] =	vst v63  }
0x1b: {  	_ =	swait.ge [sflag:s16], $0x4000  }
0x1c: {  	[sflag:s16] =	ssyncset.done $0x0  }
0x1d: {  	s23 =	simm.s32 $0x15040;
	[sflag:s16] =	ssyncadd.s32 $0xFFFFC000  }
0x1e: {  	[tilespmem:s23+$0xFFFFFFC0] =	vst v0  }
0x1f: {  	[tilespmem:s23+$0x30] =	vst v0  }
0x20: {  	[tilespmem:s23+$0x20] =	vst v0  }
0x21: {  	[tilespmem:s23+$0x10] =	vst v0  }
0x22: {  	[tilespmem:s23+$0x0] =	vst v0  }
0x23: {  	[tilespmem:s23+$0xFFFFFFF0] =	vst v0  }
0x24: {  	s24 =	simm.s32 $0x0;
	[tilespmem:s23+$0xFFFFFFE0] =	vst v0  }
.LBB2_2:
0x25: {  	s24 =	sadd.s32 $0x8, s24;
	[tilespmem:s23+$0xFFFFFFD0] =	vst v0;
	s23 =	sadd.s32 $0x80, s23;
	s22 =	simm.s32 $0x16040  }
0x26: {  	[tilespmem:s23+$0xFFFFFFC0] =	vst v0;
	p0 =	slt.u32 s24, $0xF8  }
0x27: {  	[tilespmem:s23+$0x30] =	vst v0  }
.Ltmp0:
0x28: {  	[tilespmem:s23+$0x20] =	vst v0;
	(pc) =	sbr.rel @p0 .LBB2_2-.Ltmp0, $4  }
0x29: {  	[tilespmem:s23+$0x10] =	vst v0  }
0x2a: {  	[tilespmem:s23+$0x0] =	vst v0  }
0x2b: {  	[tilespmem:s23+$0xFFFFFFF0] =	vst v0  }
0x2c: {  	[tilespmem:s23+$0xFFFFFFE0] =	vst v0  }
0x2d: {  	[tilespmem:s23+$0xFFFFFFD0] =	vst v0  }
0x2e: {  	[tilespmem:s22+$0xFFFFFFC0] =	vst v0  }
0x2f: {  	[tilespmem:s22+$0x30] =	vst v0  }
0x30: {  	[tilespmem:s22+$0x20] =	vst v0  }
0x31: {  	[tilespmem:s22+$0x10] =	vst v0  }
0x32: {  	[tilespmem:s22+$0x0] =	vst v0  }
0x33: {  	[tilespmem:s22+$0xFFFFFFF0] =	vst v0  }
0x34: {  	s23 =	simm.s32 $0x0;
	[tilespmem:s22+$0xFFFFFFE0] =	vst v0  }
.LBB2_4:
0x35: {  	s23 =	sadd.s32 $0x8, s23;
	[tilespmem:s22+$0xFFFFFFD0] =	vst v0;
	s22 =	sadd.s32 $0x80, s22  }
0x36: {  	[tilespmem:s22+$0xFFFFFFC0] =	vst v0;
	p0 =	slt.u32 s23, $0x7F8  }
0x37: {  	[tilespmem:s22+$0x30] =	vst v0  }
.Ltmp1:
0x38: {  	[tilespmem:s22+$0x20] =	vst v0;
	(pc) =	sbr.rel @p0 .LBB2_4-.Ltmp1, $4  }
0x39: {  	[tilespmem:s22+$0x10] =	vst v0  }
0x3a: {  	[tilespmem:s22+$0x0] =	vst v0  }
0x3b: {  	[tilespmem:s22+$0xFFFFFFF0] =	vst v0  }
0x3c: {  	[tilespmem:s22+$0xFFFFFFE0] =	vst v0  }
0x3d: {  	[tilespmem:s22+$0xFFFFFFD0] =	vst v0;
	s22 =	simm.s32 $0x0  }
.LBB2_6:
0x3e: {  	s23 =	sadd.s32 s5, s22  }
0x3f: {  	s23 =	smul.u32 $0xE000, s23;
	_ =	sdelay $0x1  }
0x40: {  	s23 =	sadd.s32 s9, s23  }
0x41: {  	s23 =	sshrl.u32 s23, $0x3  }
0x42: {  	s24 =	sadd.s32 s1, s23  }
0x43: {  	[tilespmem:s4], [sflag:$0x1] =	stream.linear.gather [hbm4b:s24+s4], $0xE000, $0x38;
	[tilespmem:$0x1E000] =	vst v63  }
0x44: {  	_ =	swait.ge [sflag:s16], $0xE000  }
0x45: {  	[sflag:s16] =	ssyncset.done $0x0  }
0x46: {  	s29 =	simm.s32 $0xE020;
	[sflag:s16] =	ssyncadd.s32 $0xFFFF2000  }
0x47: {  	v1 =	vld [tilespmem:s29+$0x10]  }
0x48: {  	v2 =	vld [tilespmem:s29+$0xFFFFFFF0]  }
0x49: {  	v4 =	vld [tilespmem:s29+$0xFFFFFFE0]  }
0x4a: {  	v3 =	vld [tilespmem:s29+$0x0];
	_ =	sdelay $0x2  }
0x4b: {  	v5 =	vshll.u32 v1, $0x3;
	v6 =	vshrl.u32 v1, $0x1;
	v1 =	vand.u32 $0xF87F, v1  }
0x4c: {  	v7 =	vshll.u32 v2, $0x3;
	v8 =	vshrl.u32 v4, $0x1;
	v10 =	vshrl.u32 v2, $0x1  }
0x4d: {  	s30 =	simm.s32 $0xE060;
	v2 =	vand.u32 $0xF87F, v2;
	v12 =	vshrl.u32 v3, $0x1;
	v5 =	vand.u32 $0x400, v5  }
0x4e: {  	v9 =	vld [tilespmem:s30+$0x10];
	v6 =	vand.u32 $0x380, v6;
	v1 =	vor.u32 v5, v1;
	v5 =	vand.u32 $0x400, v7  }
0x4f: {  	v7 =	vshll.u32 v3, $0x3;
	v3 =	vand.u32 $0xF87F, v3;
	v1 =	vor.u32 v6, v1  }
0x50: {  	v11 =	vld [tilespmem:s30+$0xFFFFFFF0];
	v6 =	vshll.u32 v4, $0x3;
	v7 =	vand.u32 $0x400, v7;
	v4 =	vand.u32 $0xF87F, v4  }
0x51: {  	v13 =	vld [tilespmem:s30+$0x0];
	v2 =	vor.u32 v5, v2;
	v6 =	vand.u32 $0x400, v6;
	v3 =	vor.u32 v7, v3  }
0x52: {  	v5 =	vld [tilespmem:s30+$0xFFFFFFE0];
	v7 =	vand.u32 $0x380, v12;
	v4 =	vor.u32 v6, v4;
	v6 =	vand.u32 $0x380, v8  }
0x53: {  	v8 =	vshll.u32 v9, $0x3;
	v4 =	vor.u32 v6, v4;
	v6 =	vand.u32 $0x380, v10  }
0x54: {  	v8 =	vand.u32 $0x400, v8;
	v10 =	vshrl.u32 v9, $0x1;
	v9 =	vand.u32 $0xF87F, v9  }
0x55: {  	s31 =	simm.s32 $0xE0A0;
	v6 =	vor.u32 v6, v2;
	v2 =	vand.u32 $0x380, v10;
	v8 =	vor.u32 v8, v9  }
0x56: {  	v15 =	vld [tilespmem:s31+$0x10];
	v16 =	vshrl.u32 v13, $0x1;
	v10 =	vor.u32 v7, v3;
	v3 =	vor.u32 v2, v8  }
0x57: {  	v9 =	vld.idx.msk [tilespmem:v1+s4+$0x0], $0xffff;
	v1 =	vshll.u32 v11, $0x3;
	v2 =	vshll.u32 v13, $0x3;
	v7 =	vshll.u32 v5, $0x3  }
0x58: {  	v12 =	vshrl.u32 v5, $0x1;
	v5 =	vand.u32 $0xF87F, v5;
	v14 =	vand.u32 $0x400, v2;
	v2 =	vld [tilespmem:s31+$0xFFFFFFF0]  }
0x59: {  	v13 =	vand.u32 $0xF87F, v13;
	v1 =	vand.u32 $0x400, v1;
	v8 =	vld.idx.msk [tilespmem:v4+s4+$0x0], $0xffff;
	v4 =	vand.u32 $0x400, v7  }
0x5a: {  	v7 =	vshrl.u32 v11, $0x1;
	v11 =	vand.u32 $0xF87F, v11;
	v5 =	vor.u32 v4, v5;
	v4 =	vld [tilespmem:s31+$0x0]  }
0x5b: {  	v12 =	vand.u32 $0x380, v12;
	v1 =	vor.u32 v1, v11;
	v11 =	vor.u32 v14, v13;
	v14 =	vld.idx.msk [tilespmem:v3+s4+$0x0], $0xffff  }
0x5c: {  	v13 =	vand.u32 $0x380, v16;
	v3 =	vand.u32 $0x380, v7;
	v7 =	vld [tilespmem:s31+$0xFFFFFFE0];
	v63 =	vor.u32 v12, v5  }
0x5d: {  	v5 =	vshll.u32 v15, $0x3;
	v12 =	vshrl.u32 v15, $0x1;
	v3 =	vor.u32 v3, v1  }
0x5e: {  	s24 =	simm.s32 $0x14020;
	v1 =	vor.u32 v13, v11;
	v11 =	vand.u32 $0x400, v5;
	v13 =	vand.u32 $0xF87F, v15;
	v5 =	vld.idx.msk [tilespmem:v6+s4+$0x0], $0xffff  }
0x5f: {  	[tilespmem:s24+$0x10] =	vst v9;
	v9 =	vshll.u32 v2, $0x3;
	v12 =	vand.u32 $0x380, v12;
	v6 =	vld.idx.msk [tilespmem:v10+s4+$0x0], $0xffff;
	v11 =	vor.u32 v11, v13  }
0x60: {  	s25 =	simm.s32 $0x14060;
	v10 =	vand.u32 $0x400, v9;
	[tilespmem:s24+$0xFFFFFFE0] =	vst v8;
	v9 =	vor.u32 v12, v11;
	v8 =	vshll.u32 v4, $0x3  }
0x61: {  	s26 =	simm.s32 $0x8;
	s28 =	simm.s32 $0xE0E0;
	v13 =	vshll.u32 v7, $0x3;
	v11 =	vshrl.u32 v7, $0x1;
	v12 =	vand.u32 $0x400, v8;
	v8 =	vld.idx.msk [tilespmem:v63+s4+$0x0], $0xffff;
	[tilespmem:s25+$0x10] =	vst v14  }
.LBB2_7:
0x62: {  	v14 =	vld [tilespmem:s28+$0x10];
	s26 =	sadd.s32 $0x4, s26;
	v13 =	vand.u32 $0x400, v13;
	v7 =	vand.u32 $0xF87F, v7;
	v15 =	vshrl.u32 v2, $0x1  }
0x63: {  	v16 =	vand.u32 $0xF87F, v2;
	v17 =	vshrl.u32 v4, $0x1;
	v18 =	vand.u32 $0xF87F, v4;
	p0 =	slt.u32 s26, $0xFC;
	v2 =	vld [tilespmem:s28+$0xFFFFFFF0];
	[tilespmem:s24+$0xFFFFFFF0] =	vst v5  }
0x64: {  	v5 =	vor.u32 v13, v7;
	v10 =	vor.u32 v10, v16;
	v12 =	vor.u32 v12, v18;
	v4 =	vld [tilespmem:s28+$0x0];
	[tilespmem:s24+$0x0] =	vst v6;
	s24 =	smov.u32 s25  }
0x65: {  	v13 =	vand.u32 $0x380, v17;
	v6 =	vand.u32 $0x380, v11;
	v11 =	vand.u32 $0x380, v15;
	v15 =	vld.idx.msk [tilespmem:v9+s4+$0x0], $0xffff  }
0x66: {  	v16 =	vor.u32 v6, v5;
	v6 =	vor.u32 v11, v10;
	v9 =	vor.u32 v13, v12;
	v7 =	vld [tilespmem:s28+$0xFFFFFFE0]  }
.Ltmp2:
0x67: {  	v10 =	vshll.u32 v14, $0x3;
	[tilespmem:s25+$0xFFFFFFE0] =	vst v8;
	v5 =	vld.idx.msk [tilespmem:v3+s4+$0x0], $0xffff;
	v3 =	vmov v6;
	(pc) =	sbr.rel @p0 .LBB2_7-.Ltmp2, $4  }
0x68: {  	v11 =	vand.u32 $0xF87F, v14;
	v8 =	vand.u32 $0x400, v10;
	v10 =	vshrl.u32 v14, $0x1;
	v6 =	vld.idx.msk [tilespmem:v1+s4+$0x0], $0xffff;
	v1 =	vmovc v9  }
0x69: {  	v9 =	vshll.u32 v2, $0x3;
	v12 =	vand.u32 $0x380, v10;
	v8 =	vor.u32 v8, v11  }
0x6a: {  	s25 =	sadd.s32 $0x40, s25;
	v10 =	vand.u32 $0x400, v9;
	v14 =	vshll.u32 v4, $0x3;
	v9 =	vor.u32 v12, v8  }
0x6b: {  	s28 =	sadd.s32 $0x40, s28;
	v12 =	vand.u32 $0x400, v14;
	v13 =	vshll.u32 v7, $0x3;
	v11 =	vshrl.u32 v7, $0x1;
	v8 =	vld.idx.msk [tilespmem:v16+s4+$0x0], $0xffff;
	[tilespmem:s25+$0x10] =	vst v15  }
0x6c: {  	v13 =	vand.u32 $0x400, v13;
	v7 =	vand.u32 $0xF87F, v7  }
0x6d: {  	v14 =	vshrl.u32 v2, $0x1;
	v2 =	vand.u32 $0xF87F, v2;
	v15 =	vshrl.u32 v4, $0x1  }
0x6e: {  	v4 =	vand.u32 $0xF87F, v4;
	v11 =	vand.u32 $0x380, v11;
	v7 =	vor.u32 v13, v7  }
0x6f: {  	v2 =	vor.u32 v10, v2;
	v10 =	vand.u32 $0x380, v14;
	v7 =	vor.u32 v11, v7  }
0x70: {  	v4 =	vor.u32 v12, v4;
	v11 =	vand.u32 $0x380, v15;
	v2 =	vor.u32 v10, v2  }
0x71: {  	v9 =	vld.idx.msk [tilespmem:v9+s4+$0x0], $0xffff;
	v4 =	vor.u32 v11, v4  }
0x72: {  	v3 =	vld.idx.msk [tilespmem:v3+s4+$0x0], $0xffff  }
0x73: {  	[tilespmem:s24+$0xFFFFFFF0] =	vst v5;
	v1 =	vld.idx.msk [tilespmem:v1+s4+$0x0], $0xffff  }
0x74: {  	[tilespmem:s24+$0x0] =	vst v6;
	v5 =	vld.idx.msk [tilespmem:v7+s4+$0x0], $0xffff  }
0x75: {  	s31 =	sadd.s32 $0x40, s25;
	[tilespmem:s25+$0xFFFFFFE0] =	vst v8;
	v2 =	vld.idx.msk [tilespmem:v2+s4+$0x0], $0xffff  }
0x76: {  	[tilespmem:s31+$0x10] =	vst v9;
	v4 =	vld.idx.msk [tilespmem:v4+s4+$0x0], $0xffff  }
0x77: {  	[tilespmem:s25+$0xFFFFFFF0] =	vst v3  }
0x78: {  	[tilespmem:s25+$0x0] =	vst v1  }
0x79: {  	[tilespmem:s31+$0xFFFFFFE0] =	vst v5  }
0x7a: {  	[tilespmem:s31+$0xFFFFFFF0] =	vst v2  }
0x7b: {  	s23 =	sadd.s32 s3, s23;
	s26 =	simm.s32 $0x0;
	[tilespmem:s31+$0x0] =	vst v4  }
0x7c: {  	[tilespmem:s26], [sflag:$0x1] =	stream.linear.gather [hbm4b:s23+s26], $0xE000, $0x38;
	[tilespmem:$0x1E000] =	vst v63  }
0x7d: {  	_ =	swait.ge [sflag:s16], $0xE000  }
0x7e: {  	[sflag:s16] =	ssyncset.done $0x0  }
0x7f: {  	s23 =	simm.s32 $0x0;
	[sflag:s16] =	ssyncadd.s32 $0xFFFF2000  }
0x80: {  	v1 =	vld [tilespmem:s23+$0xF000]  }
0x81: {  	v2 =	vld [tilespmem:s23+$0xF010]  }
0x82: {  	v3 =	vld [tilespmem:s23+$0xF020]  }
0x83: {  	v4 =	vld [tilespmem:s23+$0xF030]  }
0x84: {  	v8 =	vld [tilespmem:s23+$0x10000]  }
0x85: {  	v13 =	vld [tilespmem:s23+$0x10010]  }
0x86: {  	v15 =	vld [tilespmem:s23+$0x10020];
	_ =	sdelay $0x1  }
0x87: {  	v5 =	vshll.u32 v1, $0x3;
	v6 =	vshrl.u32 v1, $0x1;
	v1 =	vand.u32 $0xF87F, v1  }
0x88: {  	v7 =	vshll.u32 v4, $0x3;
	v9 =	vshrl.u32 v2, $0x1;
	v10 =	vshrl.u32 v3, $0x1  }
0x89: {  	v11 =	vshrl.u32 v4, $0x1;
	v4 =	vand.u32 $0xF87F, v4;
	v12 =	vshrl.u32 v8, $0x10  }
0x8a: {  	v14 =	vshrl.u32 v8, $0x11;
	v22 =	vshll.u32 v13, $0x3;
	v48 =	vshrl.u32 v15, $0x11  }
0x8b: {  	v5 =	vand.u32 $0x400, v5;
	v6 =	vand.u32 $0x380, v6;
	v7 =	vand.u32 $0x400, v7  }
0x8c: {  	v16 =	vand.u32 $0x7F, v12;
	v12 =	vand.u32 $0xF800, v12;
	v1 =	vor.u32 v5, v1  }
0x8d: {  	v5 =	vshll.u32 v2, $0x3;
	v2 =	vand.u32 $0xF87F, v2;
	v1 =	vor.u32 v6, v1  }
0x8e: {  	v6 =	vshll.u32 v3, $0x3;
	v5 =	vand.u32 $0x400, v5;
	v3 =	vand.u32 $0xF87F, v3  }
0x8f: {  	v6 =	vand.u32 $0x400, v6;
	v2 =	vor.u32 v5, v2;
	v5 =	vor.u32 v7, v4  }
0x90: {  	v4 =	vand.u32 $0x380, v9;
	v7 =	vand.u32 $0x380, v10;
	v9 =	vand.u32 $0x380, v11  }
0x91: {  	v17 =	vld [tilespmem:s23+$0x10030];
	v10 =	vshrl.u32 v8, $0x1;
	v11 =	vand.u32 $0xF87F, v8;
	v3 =	vor.u32 v6, v3  }
0x92: {  	v2 =	vor.u32 v4, v2;
	v4 =	vshll.u32 v8, $0x3;
	v8 =	vshrl.u32 v8, $0xD;
	v6 =	vld.idx.msk [tilespmem:v1+s4+$0x0], $0xffff  }
0x93: {  	v10 =	vand.u32 $0x380, v10;
	v8 =	vand.u32 $0x400, v8;
	v18 =	vand.u32 $0x400, v4;
	v1 =	vld [tilespmem:s23+$0x14000]  }
0x94: {  	v3 =	vor.u32 v7, v3;
	v7 =	vor.u32 v9, v5;
	v8 =	vor.u32 v8, v12  }
0x95: {  	v12 =	vand.u32 $0x380, v14;
	v11 =	vor.u32 v18, v11;
	v14 =	vshrl.u32 v15, $0x10  }
0x96: {  	v9 =	vld [tilespmem:s23+$0x11000];
	v18 =	vshrl.u32 v17, $0x10;
	v8 =	vor.u32 v12, v8;
	v10 =	vor.u32 v10, v11  }
0x97: {  	v11 =	vshrl.u32 v13, $0x10;
	v12 =	vshrl.u32 v13, $0xD;
	v20 =	vand.u32 $0xF800, v14  }
0x98: {  	v4 =	vld [tilespmem:s23+$0x14010];
	v21 =	vand.u32 $0xF800, v18;
	v18 =	vand.u32 $0x7F, v18;
	v6 =	vsub.f32 v1, v6  }
0x99: {  	v5 =	vld [tilespmem:s23+$0x14020];
	v8 =	vor.u32 v16, v8;
	v16 =	vshrl.u32 v15, $0xD;
	v19 =	vand.u32 $0xF800, v11  }
0x9a: {  	v12 =	vand.u32 $0x400, v12;
	v2 =	vld.idx.msk [tilespmem:v2+s4+$0x0], $0xffff;
	v16 =	vand.u32 $0x400, v16;
	v6 =	vmul.f32 v6, v6  }
0x9b: {  	v24 =	vshll.u32 v9, $0x3;
	v25 =	vshrl.u32 v9, $0x1;
	v26 =	vand.u32 $0xF87F, v9;
	v3 =	vld.idx.msk [tilespmem:v3+s4+$0x0], $0xffff  }
0x9c: {  	v27 =	vshrl.u32 v9, $0x10;
	v28 =	vshrl.u32 v9, $0xD;
	v9 =	vshrl.u32 v9, $0x11;
	[tilespmem:s23+$0x15000] =	vst.add.f32.msk $0xffff, v6  }
0x9d: {  	v24 =	vand.u32 $0x400, v24;
	v25 =	vand.u32 $0x380, v25;
	v29 =	vand.u32 $0x7F, v27;
	v10 =	vld.idx.msk [tilespmem:v10+s4+$0x0], $0xffff  }
0x9e: {  	v27 =	vand.u32 $0xF800, v27;
	v28 =	vand.u32 $0x400, v28;
	v9 =	vand.u32 $0x380, v9;
	v8 =	vld.idx.msk [tilespmem:v8+s4+$0x0], $0xffff  }
0x9f: {  	v7 =	vld.idx.msk [tilespmem:v7+s4+$0x0], $0xffff;
	v27 =	vor.u32 v28, v27;
	v24 =	vor.u32 v24, v26;
	v26 =	vshrl.u32 v13, $0x11  }
0xa0: {  	v9 =	vor.u32 v9, v27;
	v24 =	vor.u32 v25, v24;
	v25 =	vld [tilespmem:s23+$0x12000];
	v6 =	vshrl.u32 v17, $0xD  }
0xa1: {  	v27 =	vshll.u32 v15, $0x3;
	v2 =	vsub.f32 v4, v2;
	v23 =	vand.u32 $0x400, v6;
	v6 =	vld [tilespmem:s23+$0x14030]  }
0xa2: {  	v9 =	vor.u32 v29, v9;
	v3 =	vsub.f32 v5, v3;
	v10 =	vsub.f32 v1, v10  }
0xa3: {  	v49 =	vmul.f32 v2, v2;
	v2 =	vshrl.u32 v17, $0x11;
	v8 =	vsub.f32 v1, v8  }
0xa4: {  	v30 =	vmul.f32 v3, v3;
	v3 =	vor.u32 v12, v19;
	v10 =	vmul.f32 v10, v10  }
0xa5: {  	v19 =	vand.u32 $0x380, v26;
	v2 =	vand.u32 $0x380, v2;
	v8 =	vmul.f32 v8, v8  }
0xa6: {  	v26 =	vshrl.u32 v25, $0xD;
	v3 =	vor.u32 v19, v3;
	v7 =	vsub.f32 v6, v7;
	[tilespmem:s23+$0x16000] =	vst.add.f32.msk $0xffff, v10  }
0xa7: {  	v26 =	vand.u32 $0x400, v26;
	v10 =	vshll.u32 v17, $0x3;
	[tilespmem:s23+$0x17000] =	vst.add.f32.msk $0xffff, v8;
	v8 =	vor.u32 v16, v20  }
0xa8: {  	v16 =	vmul.f32 v7, v7;
	v7 =	vand.u32 $0x400, v22;
	v20 =	vor.u32 v23, v21  }
0xa9: {  	v21 =	vshll.u32 v25, $0x3;
	v22 =	vshrl.u32 v25, $0x1;
	v23 =	vand.u32 $0xF87F, v25  }
0xaa: {  	v12 =	vld.idx.msk [tilespmem:v24+s4+$0x0], $0xffff;
	v24 =	vshrl.u32 v25, $0x10;
	v25 =	vshrl.u32 v25, $0x11;
	v21 =	vand.u32 $0x400, v21  }
0xab: {  	v50 =	vand.u32 $0x400, v10;
	v10 =	vshrl.u32 v13, $0x1;
	v13 =	vand.u32 $0xF87F, v13  }
0xac: {  	v9 =	vld.idx.msk [tilespmem:v9+s4+$0x0], $0xffff;
	v2 =	vor.u32 v2, v20;
	v31 =	vand.u32 $0x7F, v24;
	v24 =	vand.u32 $0xF800, v24  }
0xad: {  	v25 =	vand.u32 $0x380, v25;
	v20 =	vand.u32 $0x380, v10;
	v10 =	vld [tilespmem:s23+$0x12010];
	v24 =	vor.u32 v26, v24  }
0xae: {  	v21 =	vor.u32 v21, v23;
	v23 =	vor.u32 v25, v24;
	v25 =	vand.u32 $0x400, v27;
	v27 =	vld [tilespmem:s23+$0x11030]  }
0xaf: {  	v22 =	vand.u32 $0x380, v22;
	v7 =	vor.u32 v7, v13;
	v18 =	vor.u32 v18, v2;
	v24 =	vld [tilespmem:s23+$0x11010]  }
0xb0: {  	v21 =	vor.u32 v22, v21;
	v26 =	vand.u32 $0x380, v48;
	v12 =	vsub.f32 v1, v12  }
0xb1: {  	v20 =	vor.u32 v20, v7;
	v22 =	vor.u32 v31, v23;
	v23 =	vld [tilespmem:s23+$0x11020];
	v9 =	vsub.f32 v1, v9  }
0xb2: {  	[tilespmem:s23+$0x15010] =	vst.add.f32.msk $0xffff, v49;
	v8 =	vor.u32 v26, v8;
	v40 =	vshrl.u32 v10, $0x11;
	v12 =	vmul.f32 v12, v12  }
0xb3: {  	[tilespmem:s23+$0x15020] =	vst.add.f32.msk $0xffff, v30;
	v45 =	vshrl.u32 v10, $0x1;
	v9 =	vmul.f32 v9, v9;
	v51 =	vshrl.u32 v27, $0xD  }
0xb4: {  	v33 =	vshrl.u32 v24, $0x11;
	v54 =	vshrl.u32 v27, $0x11;
	v59 =	vshrl.u32 v24, $0x1;
	[tilespmem:s23+$0x18000] =	vst.add.f32.msk $0xffff, v12  }
0xb5: {  	v12 =	vshrl.u32 v15, $0x1;
	v15 =	vand.u32 $0xF87F, v15;
	[tilespmem:s23+$0x19000] =	vst.add.f32.msk $0xffff, v9;
	v9 =	vshrl.u32 v17, $0x1  }
0xb6: {  	[tilespmem:s23+$0x15030] =	vst.add.f32.msk $0xffff, v16;
	v17 =	vand.u32 $0xF87F, v17;
	v28 =	vand.u32 $0x400, v51;
	v34 =	vshll.u32 v23, $0x3  }
0xb7: {  	v18 =	vld.idx.msk [tilespmem:v18+s4+$0x0], $0xffff;
	v35 =	vshrl.u32 v23, $0x11;
	v55 =	vand.u32 $0x380, v33;
	v30 =	vand.u32 $0x380, v54  }
0xb8: {  	v19 =	vld.idx.msk [tilespmem:v21+s4+$0x0], $0xffff;
	v13 =	vor.u32 v25, v15;
	v21 =	vand.u32 $0x7F, v11;
	v17 =	vor.u32 v50, v17  }
0xb9: {  	v15 =	vld.idx.msk [tilespmem:v22+s4+$0x0], $0xffff;
	v22 =	vand.u32 $0x380, v12;
	v12 =	vand.u32 $0x7F, v14;
	v9 =	vand.u32 $0x380, v9  }
0xba: {  	v20 =	vld.idx.msk [tilespmem:v20+s4+$0x0], $0xffff;
	v25 =	vshrl.u32 v27, $0x10;
	v56 =	vand.u32 $0x400, v34;
	v57 =	vand.u32 $0x380, v35  }
0xbb: {  	v14 =	vor.u32 v21, v3;
	v8 =	vor.u32 v12, v8;
	v13 =	vor.u32 v22, v13  }
0xbc: {  	v9 =	vor.u32 v9, v17;
	v17 =	vshrl.u32 v24, $0xD;
	v21 =	vshrl.u32 v23, $0x10  }
0xbd: {  	v11 =	vld [tilespmem:s23+$0x12020];
	v22 =	vshrl.u32 v23, $0xD;
	v53 =	vand.u32 $0xF800, v25;
	v18 =	vsub.f32 v6, v18  }
0xbe: {  	v17 =	vand.u32 $0x400, v17;
	v52 =	vand.u32 $0xF800, v21;
	v22 =	vand.u32 $0x400, v22  }
0xbf: {  	v12 =	vld [tilespmem:s23+$0x12030];
	v16 =	vor.u32 v28, v53;
	v20 =	vsub.f32 v4, v20;
	v21 =	vand.u32 $0x7F, v21  }
0xc0: {  	v3 =	vld [tilespmem:s23+$0x13010];
	v22 =	vor.u32 v22, v52;
	v18 =	vmul.f32 v18, v18;
	v16 =	vor.u32 v30, v16  }
0xc1: {  	v20 =	vmul.f32 v20, v20;
	v22 =	vor.u32 v57, v22;
	v7 =	vsub.f32 v1, v19  }
0xc2: {  	v19 =	vshrl.u32 v24, $0x10;
	v15 =	vsub.f32 v1, v15;
	v41 =	vshll.u32 v11, $0x3  }
0xc3: {  	v42 =	vshrl.u32 v11, $0x11;
	v47 =	vshrl.u32 v11, $0x1;
	v14 =	vld.idx.msk [tilespmem:v14+s4+$0x0], $0xffff;
	v26 =	vand.u32 $0xF800, v19  }
0xc4: {  	v13 =	vld.idx.msk [tilespmem:v13+s4+$0x0], $0xffff;
	v19 =	vand.u32 $0x7F, v19;
	v43 =	vshrl.u32 v12, $0x11;
	v44 =	vand.u32 $0x380, v42  }
0xc5: {  	v8 =	vld.idx.msk [tilespmem:v8+s4+$0x0], $0xffff;
	v48 =	vshrl.u32 v12, $0x1;
	v52 =	vshrl.u32 v3, $0x1;
	v7 =	vmul.f32 v7, v7  }
0xc6: {  	s26 =	sand.u32 $0xFC0, s26;
	v9 =	vld.idx.msk [tilespmem:v9+s4+$0x0], $0xffff;
	v15 =	vmul.f32 v15, v15;
	v17 =	vor.u32 v17, v26;
	v26 =	vshll.u32 v27, $0x3  }
0xc7: {  	s24 =	sor.u32 $0x1A000, s26;
	v46 =	vand.u32 $0x380, v43;
	v26 =	vand.u32 $0x400, v26;
	v17 =	vor.u32 v55, v17  }
0xc8: {  	s30 =	sor.u32 $0x1B000, s26;
	[tilespmem:s24+$0x0] =	vst.add.f32.msk $0xffff, v7;
	v17 =	vor.u32 v19, v17;
	v19 =	vor.u32 v21, v22;
	v21 =	vand.u32 $0x7F, v25  }
0xc9: {  	[tilespmem:s30+$0x0] =	vst.add.f32.msk $0xffff, v15;
	v15 =	vshll.u32 v24, $0x3;
	v24 =	vand.u32 $0xF87F, v24;
	v14 =	vsub.f32 v4, v14  }
0xca: {  	v32 =	vld [tilespmem:s23+$0x13000];
	v15 =	vand.u32 $0x400, v15;
	v13 =	vsub.f32 v5, v13;
	v8 =	vsub.f32 v5, v8  }
0xcb: {  	v2 =	vld [tilespmem:s23+$0x13020];
	v9 =	vsub.f32 v6, v9;
	v15 =	vor.u32 v15, v24;
	v14 =	vmul.f32 v14, v14  }
0xcc: {  	[tilespmem:s23+$0x16010] =	vst.add.f32.msk $0xffff, v20;
	v24 =	vand.u32 $0x380, v59;
	v13 =	vmul.f32 v13, v13;
	v62 =	vmul.f32 v8, v8  }
0xcd: {  	[tilespmem:s23+$0x17030] =	vst.add.f32.msk $0xffff, v18;
	v8 =	vshrl.u32 v23, $0x1;
	v63 =	vmul.f32 v9, v9;
	v9 =	vand.u32 $0xF87F, v23  }
0xce: {  	v7 =	vld [tilespmem:s23+$0x13030];
	v15 =	vor.u32 v24, v15;
	v9 =	vor.u32 v56, v9;
	v8 =	vand.u32 $0x380, v8  }
0xcf: {  	s24 =	simm.s32 $0x40;
	[tilespmem:s23+$0x17010] =	vst.add.f32.msk $0xffff, v14;
	v14 =	vor.u32 v21, v16;
	v16 =	vor.u32 v8, v9;
	v58 =	vshrl.u32 v32, $0x1  }
0xd0: {  	v30 =	vld [tilespmem:s24+$0x10010];
	v60 =	vshll.u32 v32, $0x3;
	v36 =	vand.u32 $0xF87F, v32;
	v37 =	vshrl.u32 v32, $0x11  }
0xd1: {  	v34 =	vld [tilespmem:s24+$0x10030];
	v38 =	vshrl.u32 v32, $0x10;
	v32 =	vshrl.u32 v32, $0xD;
	v33 =	vand.u32 $0x380, v58  }
0xd2: {  	[tilespmem:s23+$0x16020] =	vst.add.f32.msk $0xffff, v13;
	v39 =	vand.u32 $0xF800, v38;
	v32 =	vand.u32 $0x400, v32;
	v35 =	vand.u32 $0x400, v60  }
0xd3: {  	[tilespmem:s23+$0x17020] =	vst.add.f32.msk $0xffff, v62;
	v37 =	vand.u32 $0x380, v37;
	v61 =	vand.u32 $0x7F, v38;
	v38 =	vshrl.u32 v27, $0x1  }
0xd4: {  	v17 =	vld.idx.msk [tilespmem:v17+s4+$0x0], $0xffff;
	v27 =	vand.u32 $0xF87F, v27;
	v32 =	vor.u32 v32, v39;
	v35 =	vor.u32 v35, v36  }
0xd5: {  	v19 =	vld.idx.msk [tilespmem:v19+s4+$0x0], $0xffff;
	v26 =	vor.u32 v26, v27;
	v27 =	vand.u32 $0x380, v38;
	v33 =	vor.u32 v33, v35  }
0xd6: {  	v25 =	vshrl.u32 v12, $0xD;
	[tilespmem:s23+$0x16030] =	vst.add.f32.msk $0xffff, v63;
	v32 =	vor.u32 v37, v32;
	v20 =	vor.u32 v27, v26  }
0xd7: {  	v25 =	vand.u32 $0x400, v25;
	v24 =	vshrl.u32 v12, $0x10;
	v15 =	vld.idx.msk [tilespmem:v15+s4+$0x0], $0xffff;
	v32 =	vor.u32 v61, v32  }
0xd8: {  	v49 =	vshrl.u32 v7, $0x11;
	v53 =	vshrl.u32 v7, $0x1;
	v21 =	vshrl.u32 v10, $0x10;
	v16 =	vld.idx.msk [tilespmem:v16+s4+$0x0], $0xffff  }
0xd9: {  	v13 =	vshrl.u32 v10, $0xD;
	v28 =	vand.u32 $0x380, v49;
	v14 =	vld.idx.msk [tilespmem:v14+s4+$0x0], $0xffff;
	v17 =	vsub.f32 v4, v17  }
0xda: {  	v13 =	vand.u32 $0x400, v13;
	v27 =	vand.u32 $0xF800, v24;
	v19 =	vsub.f32 v5, v19;
	v23 =	vld.idx.msk [tilespmem:v33+s4+$0x0], $0xffff  }
0xdb: {  	v35 =	vshrl.u32 v34, $0x10;
	v25 =	vor.u32 v25, v27;
	v17 =	vmul.f32 v17, v17;
	v20 =	vld.idx.msk [tilespmem:v20+s4+$0x0], $0xffff  }
0xdc: {  	v27 =	vand.u32 $0x400, v41;
	v15 =	vsub.f32 v4, v15;
	v19 =	vmul.f32 v19, v19;
	v39 =	vld.idx.msk [tilespmem:v32+s4+$0x0], $0xffff  }
0xdd: {  	v61 =	vshrl.u32 v30, $0xD;
	v49 =	vand.u32 $0xF800, v35;
	v16 =	vsub.f32 v5, v16;
	[tilespmem:s23+$0x19010] =	vst.add.f32.msk $0xffff, v17  }
0xde: {  	v25 =	vor.u32 v46, v25;
	v15 =	vmul.f32 v15, v15;
	v14 =	vsub.f32 v6, v14;
	[tilespmem:s23+$0x19020] =	vst.add.f32.msk $0xffff, v19  }
0xdf: {  	v17 =	vand.u32 $0x7F, v24;
	v19 =	vshrl.u32 v2, $0x10;
	v32 =	vld [tilespmem:s24+$0x10020];
	v16 =	vmul.f32 v16, v16  }
0xe0: {  	v14 =	vmul.f32 v14, v14;
	[tilespmem:s23+$0x18010] =	vst.add.f32.msk $0xffff, v15;
	v15 =	vand.u32 $0x380, v48;
	v22 =	vsub.f32 v1, v23  }
0xe1: {  	v23 =	vand.u32 $0xF800, v21;
	v20 =	vsub.f32 v6, v20;
	v21 =	vand.u32 $0x7F, v21;
	[tilespmem:s23+$0x18020] =	vst.add.f32.msk $0xffff, v16  }
0xe2: {  	v16 =	vor.u32 v17, v25;
	v17 =	vshrl.u32 v3, $0x10;
	[tilespmem:s23+$0x19030] =	vst.add.f32.msk $0xffff, v14;
	v14 =	vshrl.u32 v7, $0xD  }
0xe3: {  	v25 =	vshrl.u32 v3, $0x11;
	v1 =	vsub.f32 v1, v39;
	v13 =	vor.u32 v13, v23  }
0xe4: {  	v23 =	vshll.u32 v12, $0x3;
	v12 =	vand.u32 $0xF87F, v12;
	v14 =	vand.u32 $0x400, v14  }
0xe5: {  	v31 =	vshrl.u32 v32, $0x10;
	v62 =	vshrl.u32 v32, $0xD;
	v9 =	vmul.f32 v22, v22  }
0xe6: {  	v22 =	vshrl.u32 v11, $0xD;
	v23 =	vand.u32 $0x400, v23;
	v20 =	vmul.f32 v20, v20  }
0xe7: {  	v48 =	vand.u32 $0xF800, v31;
	v33 =	vand.u32 $0x400, v62;
	v8 =	vmul.f32 v1, v1  }
0xe8: {  	v1 =	vshrl.u32 v11, $0x10;
	v18 =	vand.u32 $0x400, v22;
	v22 =	vshll.u32 v10, $0x3  }
0xe9: {  	v10 =	vand.u32 $0xF87F, v10;
	v11 =	vand.u32 $0xF87F, v11;
	v12 =	vor.u32 v23, v12  }
0xea: {  	v23 =	vand.u32 $0x380, v47;
	v26 =	vand.u32 $0xF800, v1;
	v22 =	vand.u32 $0x400, v22  }
0xeb: {  	v11 =	vor.u32 v27, v11;
	v1 =	vand.u32 $0x7F, v1;
	v12 =	vor.u32 v15, v12  }
0xec: {  	v15 =	vshrl.u32 v3, $0xD;
	v18 =	vor.u32 v18, v26;
	v26 =	vand.u32 $0x380, v40  }
0xed: {  	v10 =	vor.u32 v22, v10;
	v22 =	vand.u32 $0x380, v45;
	v11 =	vor.u32 v23, v11  }
0xee: {  	[tilespmem:s23+$0x18030] =	vst.add.f32.msk $0xffff, v20;
	v20 =	vand.u32 $0xF800, v17;
	v13 =	vor.u32 v26, v13;
	v10 =	vor.u32 v22, v10  }
0xef: {  	v27 =	vshrl.u32 v2, $0x11;
	v18 =	vor.u32 v44, v18;
	v13 =	vor.u32 v21, v13  }
0xf0: {  	v15 =	vand.u32 $0x400, v15;
	v23 =	vshll.u32 v3, $0x3;
	v1 =	vor.u32 v1, v18  }
0xf1: {  	v3 =	vand.u32 $0xF87F, v3;
	v22 =	vand.u32 $0xF800, v19;
	v26 =	vshll.u32 v2, $0x3  }
0xf2: {  	v20 =	vor.u32 v15, v20;
	v15 =	vshll.u32 v7, $0x3;
	v23 =	vand.u32 $0x400, v23;
	v11 =	vld.idx.msk [tilespmem:v11+s4+$0x0], $0xffff  }
0xf3: {  	v18 =	vshrl.u32 v2, $0xD;
	v21 =	vshrl.u32 v7, $0x10;
	v51 =	vand.u32 $0x400, v15;
	v10 =	vld.idx.msk [tilespmem:v10+s4+$0x0], $0xffff  }
0xf4: {  	v7 =	vand.u32 $0xF87F, v7;
	v3 =	vor.u32 v23, v3;
	v18 =	vand.u32 $0x400, v18;
	v13 =	vld.idx.msk [tilespmem:v13+s4+$0x0], $0xffff  }
0xf5: {  	v24 =	vand.u32 $0xF800, v21;
	v23 =	vor.u32 v51, v7;
	v7 =	vand.u32 $0x7F, v17;
	v1 =	vld.idx.msk [tilespmem:v1+s4+$0x0], $0xffff  }
0xf6: {  	v50 =	vor.u32 v18, v22;
	v12 =	vld.idx.msk [tilespmem:v12+s4+$0x0], $0xffff;
	v14 =	vor.u32 v14, v24;
	v24 =	vand.u32 $0x380, v25  }
0xf7: {  	v25 =	vand.u32 $0x400, v26;
	v26 =	vand.u32 $0x380, v27;
	v27 =	vld.idx.msk [tilespmem:v16+s4+$0x0], $0xffff;
	v20 =	vor.u32 v24, v20  }
0xf8: {  	v24 =	vor.u32 v26, v50;
	v11 =	vsub.f32 v5, v11;
	v10 =	vsub.f32 v4, v10  }
0xf9: {  	v14 =	vor.u32 v28, v14;
	v26 =	vand.u32 $0x7F, v19;
	v13 =	vsub.f32 v4, v13  }
0xfa: {  	v1 =	vsub.f32 v5, v1;
	v16 =	vmul.f32 v11, v11;
	v18 =	vmul.f32 v10, v10  }
0xfb: {  	v51 =	vld [tilespmem:s24+$0x12000];
	v10 =	vsub.f32 v6, v12;
	v22 =	vmul.f32 v13, v13;
	v13 =	vshrl.u32 v2, $0x1  }
0xfc: {  	v2 =	vand.u32 $0xF87F, v2;
	v15 =	vmul.f32 v1, v1;
	v1 =	vsub.f32 v6, v27;
	v27 =	vld [tilespmem:s24+$0xF020]  }
0xfd: {  	v12 =	vmul.f32 v10, v10;
	v10 =	vand.u32 $0x380, v52;
	v2 =	vor.u32 v25, v2;
	v25 =	vld [tilespmem:s24+$0xF010]  }
0xfe: {  	v17 =	vand.u32 $0x380, v13;
	v13 =	vor.u32 v7, v20;
	v11 =	vmul.f32 v1, v1;
	v1 =	vld [tilespmem:s24+$0xF000]  }
0xff: {  	v20 =	vand.u32 $0x380, v53;
	v7 =	vand.u32 $0x7F, v21;
	v19 =	vor.u32 v10, v3;
	v3 =	vld [tilespmem:s24+$0xF030]  }
0x100: {  	v47 =	vshrl.u32 v51, $0xD;
	v7 =	vor.u32 v7, v14;
	v14 =	vor.u32 v20, v23;
	v23 =	vld [tilespmem:s24+$0x10000]  }
0x101: {  	v31 =	vand.u32 $0x7F, v31;
	v40 =	vshll.u32 v30, $0x3;
	v47 =	vand.u32 $0x400, v47  }
0x102: {  	v52 =	vshrl.u32 v30, $0x11;
	v53 =	vshll.u32 v32, $0x3;
	v10 =	vor.u32 v26, v24  }
0x103: {  	v17 =	vor.u32 v17, v2;
	v26 =	vshrl.u32 v27, $0x1;
	v24 =	vshrl.u32 v25, $0x1  }
0x104: {  	v2 =	vshll.u32 v1, $0x3;
	v21 =	vshrl.u32 v1, $0x1;
	v1 =	vand.u32 $0xF87F, v1  }
0x105: {  	v54 =	vshrl.u32 v3, $0x1;
	v55 =	vand.u32 $0xF87F, v23;
	v56 =	vshrl.u32 v23, $0x10  }
0x106: {  	v57 =	vshrl.u32 v23, $0x11;
	v2 =	vand.u32 $0x400, v2;
	v20 =	vand.u32 $0x380, v21  }
0x107: {  	[tilespmem:s23+$0x1A030] =	vst.add.f32.msk $0xffff, v12;
	v21 =	vshll.u32 v3, $0x3;
	v3 =	vand.u32 $0xF87F, v3;
	v58 =	vand.u32 $0x7F, v56  }
0x108: {  	[tilespmem:s23+$0x1B030] =	vst.add.f32.msk $0xffff, v11;
	v29 =	vand.u32 $0xF800, v56;
	v60 =	vand.u32 $0x380, v57;
	v1 =	vor.u32 v2, v1  }
0x109: {  	v14 =	vld.idx.msk [tilespmem:v14+s4+$0x0], $0xffff;
	v56 =	vand.u32 $0x380, v52;
	v57 =	vshll.u32 v51, $0x3;
	v1 =	vor.u32 v20, v1  }
0x10a: {  	v2 =	vshll.u32 v25, $0x3;
	v21 =	vand.u32 $0x400, v21;
	v25 =	vand.u32 $0xF87F, v25  }
0x10b: {  	v38 =	vand.u32 $0x400, v57;
	v20 =	vshll.u32 v27, $0x3;
	v2 =	vand.u32 $0x400, v2  }
0x10c: {  	v27 =	vand.u32 $0xF87F, v27;
	v3 =	vor.u32 v21, v3;
	v20 =	vand.u32 $0x400, v20  }
0x10d: {  	v2 =	vor.u32 v2, v25;
	v25 =	vor.u32 v20, v27;
	v27 =	vshrl.u32 v23, $0x1  }
0x10e: {  	v14 =	vsub.f32 v6, v14;
	v27 =	vand.u32 $0x380, v27;
	v21 =	vld.idx.msk [tilespmem:v1+s4+$0x0], $0xffff;
	v1 =	vand.u32 $0x380, v24  }
0x10f: {  	v24 =	vand.u32 $0x380, v26;
	v26 =	vand.u32 $0x380, v54;
	v54 =	vshrl.u32 v32, $0x11  }
0x110: {  	v2 =	vor.u32 v1, v2;
	v1 =	vshll.u32 v23, $0x3;
	v23 =	vshrl.u32 v23, $0xD  }
0x111: {  	v20 =	vld [tilespmem:s24+$0x14000];
	v24 =	vor.u32 v24, v25;
	v25 =	vor.u32 v26, v3;
	v52 =	vand.u32 $0x380, v54  }
0x112: {  	v54 =	vshrl.u32 v32, $0x1;
	v23 =	vand.u32 $0x400, v23;
	v59 =	vand.u32 $0x400, v1  }
0x113: {  	v26 =	vld [tilespmem:s24+$0x11000];
	v32 =	vand.u32 $0xF87F, v32;
	v23 =	vor.u32 v23, v29;
	v28 =	vor.u32 v59, v55  }
0x114: {  	v29 =	vand.u32 $0x400, v61;
	v59 =	vand.u32 $0xF87F, v51;
	v23 =	vor.u32 v60, v23  }
0x115: {  	v27 =	vor.u32 v27, v28;
	v28 =	vshrl.u32 v30, $0x10;
	v60 =	vshrl.u32 v51, $0x10  }
0x116: {  	v3 =	vld [tilespmem:s24+$0x14020];
	v38 =	vor.u32 v38, v59;
	v59 =	vand.u32 $0x7F, v35;
	v21 =	vsub.f32 v20, v21  }
0x117: {  	v1 =	vld [tilespmem:s24+$0x14010];
	v23 =	vor.u32 v58, v23;
	v63 =	vand.u32 $0xF800, v28;
	v58 =	vshrl.u32 v51, $0x1  }
0x118: {  	v28 =	vand.u32 $0x7F, v28;
	v2 =	vld.idx.msk [tilespmem:v2+s4+$0x0], $0xffff;
	v41 =	vshll.u32 v26, $0x3;
	v21 =	vmul.f32 v21, v21  }
0x119: {  	v42 =	vshrl.u32 v26, $0x1;
	v43 =	vand.u32 $0xF87F, v26;
	v44 =	vshrl.u32 v26, $0x10;
	v24 =	vld.idx.msk [tilespmem:v24+s4+$0x0], $0xffff  }
0x11a: {  	v45 =	vshrl.u32 v26, $0xD;
	v26 =	vshrl.u32 v26, $0x11;
	v41 =	vand.u32 $0x400, v41;
	[tilespmem:s24+$0x15000] =	vst.add.f32.msk $0xffff, v21  }
0x11b: {  	v46 =	vand.u32 $0x7F, v44;
	v44 =	vand.u32 $0xF800, v44;
	v45 =	vand.u32 $0x400, v45;
	v27 =	vld.idx.msk [tilespmem:v27+s4+$0x0], $0xffff  }
0x11c: {  	v42 =	vand.u32 $0x380, v42;
	v26 =	vand.u32 $0x380, v26;
	v44 =	vor.u32 v45, v44;
	v23 =	vld.idx.msk [tilespmem:v23+s4+$0x0], $0xffff  }
0x11d: {  	v41 =	vor.u32 v41, v43;
	v43 =	vand.u32 $0xF800, v60;
	v26 =	vor.u32 v26, v44  }
0x11e: {  	v25 =	vld.idx.msk [tilespmem:v25+s4+$0x0], $0xffff;
	v41 =	vor.u32 v42, v41;
	v42 =	vshrl.u32 v51, $0x11;
	v50 =	vsub.f32 v1, v2  }
0x11f: {  	v45 =	vld [tilespmem:s24+$0x11030];
	v43 =	vor.u32 v47, v43;
	v26 =	vor.u32 v46, v26;
	v24 =	vsub.f32 v3, v24  }
0x120: {  	v42 =	vand.u32 $0x380, v42;
	v2 =	vld [tilespmem:s24+$0x14030];
	v39 =	vmul.f32 v50, v50;
	v27 =	vsub.f32 v20, v27  }
0x121: {  	v61 =	vor.u32 v42, v43;
	v42 =	vld [tilespmem:s24+$0x11010];
	v46 =	vmul.f32 v24, v24;
	v23 =	vsub.f32 v20, v23  }
0x122: {  	v21 =	vshrl.u32 v34, $0xD;
	v24 =	vor.u32 v29, v63;
	[tilespmem:s24+$0x15010] =	vst.add.f32.msk $0xffff, v39;
	v27 =	vmul.f32 v27, v27  }
0x123: {  	v29 =	vor.u32 v33, v48;
	v37 =	vor.u32 v56, v24;
	[tilespmem:s24+$0x15020] =	vst.add.f32.msk $0xffff, v46;
	v23 =	vmul.f32 v23, v23  }
0x124: {  	v21 =	vand.u32 $0x400, v21;
	v29 =	vor.u32 v52, v29;
	v37 =	vor.u32 v28, v37;
	[tilespmem:s24+$0x16000] =	vst.add.f32.msk $0xffff, v27  }
0x125: {  	v21 =	vor.u32 v21, v49;
	v48 =	vand.u32 $0x7F, v60;
	v29 =	vor.u32 v31, v29;
	[tilespmem:s24+$0x17000] =	vst.add.f32.msk $0xffff, v23  }
0x126: {  	v63 =	vand.u32 $0x400, v53;
	v53 =	vshrl.u32 v30, $0x1;
	v25 =	vsub.f32 v2, v25;
	v55 =	vld.idx.msk [tilespmem:v41+s4+$0x0], $0xffff  }
0x127: {  	v30 =	vand.u32 $0xF87F, v30;
	v62 =	vor.u32 v48, v61;
	v56 =	vor.u32 v63, v32;
	v26 =	vld.idx.msk [tilespmem:v26+s4+$0x0], $0xffff  }
0x128: {  	v61 =	vshrl.u32 v42, $0xD;
	v50 =	vshrl.u32 v42, $0x11;
	v36 =	vmul.f32 v25, v25;
	v41 =	vld [tilespmem:s24+$0x11020]  }
0x129: {  	v25 =	vand.u32 $0x400, v40;
	v40 =	vand.u32 $0x380, v58;
	v23 =	vshrl.u32 v34, $0x11;
	v37 =	vld.idx.msk [tilespmem:v37+s4+$0x0], $0xffff  }
0x12a: {  	v27 =	vshll.u32 v34, $0x3;
	v38 =	vor.u32 v40, v38;
	v23 =	vand.u32 $0x380, v23;
	v29 =	vld.idx.msk [tilespmem:v29+s4+$0x0], $0xffff  }
0x12b: {  	[tilespmem:s23+$0x1A020] =	vst.add.f32.msk $0xffff, v16;
	v25 =	vor.u32 v25, v30;
	v21 =	vor.u32 v23, v21;
	v23 =	vand.u32 $0x380, v53  }
0x12c: {  	[tilespmem:s23+$0x1B020] =	vst.add.f32.msk $0xffff, v15;
	v40 =	vshrl.u32 v45, $0x10;
	v27 =	vand.u32 $0x400, v27;
	v35 =	vor.u32 v23, v25  }
0x12d: {  	v23 =	vld [tilespmem:s24+$0x13010];
	v21 =	vor.u32 v59, v21;
	v59 =	vand.u32 $0xF800, v40;
	v33 =	vsub.f32 v20, v55  }
0x12e: {  	v25 =	vld [tilespmem:s24+$0x13020];
	v26 =	vsub.f32 v20, v26;
	v55 =	vshrl.u32 v34, $0x1;
	v51 =	vshll.u32 v41, $0x3  }
0x12f: {  	v24 =	vld [tilespmem:s24+$0x12010];
	v52 =	vshrl.u32 v41, $0x11;
	v37 =	vsub.f32 v1, v37;
	v29 =	vsub.f32 v3, v29  }
0x130: {  	[tilespmem:s24+$0x15030] =	vst.add.f32.msk $0xffff, v36;
	v58 =	vand.u32 $0x380, v55;
	v55 =	vshrl.u32 v45, $0xD;
	v33 =	vmul.f32 v33, v33  }
0x131: {  	v48 =	vand.u32 $0x380, v52;
	v26 =	vmul.f32 v26, v26;
	v44 =	vand.u32 $0x400, v55;
	v35 =	vld.idx.msk [tilespmem:v35+s4+$0x0], $0xffff  }
0x132: {  	v37 =	vmul.f32 v37, v37;
	v29 =	vmul.f32 v29, v29;
	v16 =	vand.u32 $0xF87F, v23;
	[tilespmem:s24+$0x18000] =	vst.add.f32.msk $0xffff, v33  }
0x133: {  	v15 =	vshrl.u32 v25, $0x1;
	v36 =	vor.u32 v44, v59;
	v44 =	vand.u32 $0x400, v51;
	[tilespmem:s24+$0x19000] =	vst.add.f32.msk $0xffff, v26  }
0x134: {  	v51 =	vshrl.u32 v42, $0x1;
	v15 =	vand.u32 $0x380, v15;
	v26 =	vand.u32 $0xF87F, v34;
	[tilespmem:s24+$0x17010] =	vst.add.f32.msk $0xffff, v37  }
0x135: {  	v33 =	vand.u32 $0x380, v54;
	v37 =	vshrl.u32 v24, $0x10;
	v38 =	vld.idx.msk [tilespmem:v38+s4+$0x0], $0xffff;
	v27 =	vor.u32 v27, v26  }
0x136: {  	v57 =	vld.idx.msk [tilespmem:v62+s4+$0x0], $0xffff;
	v30 =	vor.u32 v33, v56;
	v33 =	vshrl.u32 v42, $0x10;
	v62 =	vshrl.u32 v41, $0xD  }
0x137: {  	v21 =	vld.idx.msk [tilespmem:v21+s4+$0x0], $0xffff;
	v56 =	vand.u32 $0x400, v61;
	v61 =	vshrl.u32 v45, $0x11;
	v59 =	vand.u32 $0xF800, v37  }
0x138: {  	v34 =	vor.u32 v58, v27;
	v63 =	vand.u32 $0xF800, v33;
	v39 =	vand.u32 $0x400, v62  }
0x139: {  	v26 =	vld [tilespmem:s24+$0x12020];
	v58 =	vshll.u32 v42, $0x3;
	v46 =	vand.u32 $0x380, v61;
	v42 =	vand.u32 $0xF87F, v42  }
0x13a: {  	v61 =	vshrl.u32 v41, $0x1;
	v33 =	vand.u32 $0x7F, v33;
	v60 =	vsub.f32 v20, v38  }
0x13b: {  	s31 =	simm.s32 $0x40;
	v47 =	vand.u32 $0x400, v58;
	v35 =	vsub.f32 v1, v35;
	v27 =	vsub.f32 v20, v57;
	v30 =	vld.idx.msk [tilespmem:v30+s4+$0x0], $0xffff  }
0x13c: {  	s29 =	sand.u32 $0xFC0, s31;
	v21 =	vsub.f32 v2, v21;
	v36 =	vor.u32 v46, v36;
	[tilespmem:s24+$0x17020] =	vst.add.f32.msk $0xffff, v29;
	v31 =	vmul.f32 v60, v60  }
0x13d: {  	s25 =	sor.u32 $0x1A000, s29;
	v42 =	vor.u32 v47, v42;
	v35 =	vmul.f32 v35, v35;
	v34 =	vld.idx.msk [tilespmem:v34+s4+$0x0], $0xffff;
	v27 =	vmul.f32 v27, v27  }
0x13e: {  	s30 =	sor.u32 $0x1B000, s29;
	v38 =	vshrl.u32 v41, $0x10;
	v41 =	vand.u32 $0xF87F, v41;
	v58 =	vshrl.u32 v26, $0xD;
	[tilespmem:s25+$0x0] =	vst.add.f32.msk $0xffff, v31  }
0x13f: {  	v57 =	vand.u32 $0xF800, v38;
	v41 =	vor.u32 v44, v41;
	v38 =	vand.u32 $0x7F, v38;
	[tilespmem:s30+$0x0] =	vst.add.f32.msk $0xffff, v27  }
0x140: {  	v29 =	vand.u32 $0x400, v58;
	v60 =	vshll.u32 v45, $0x3;
	v27 =	vld [tilespmem:s24+$0x13030];
	v30 =	vsub.f32 v3, v30  }
0x141: {  	v32 =	vor.u32 v39, v57;
	v39 =	vand.u32 $0x380, v50;
	v57 =	vshrl.u32 v24, $0xD;
	v49 =	vld [tilespmem:s24+$0x13000]  }
0x142: {  	v43 =	vand.u32 $0x400, v60;
	v32 =	vor.u32 v48, v32;
	v30 =	vmul.f32 v30, v30  }
0x143: {  	v31 =	vor.u32 v56, v63;
	v32 =	vor.u32 v38, v32;
	v34 =	vsub.f32 v2, v34  }
0x144: {  	v31 =	vor.u32 v39, v31;
	v39 =	vshrl.u32 v26, $0x10;
	[tilespmem:s24+$0x16020] =	vst.add.f32.msk $0xffff, v30;
	v30 =	vand.u32 $0x400, v57  }
0x145: {  	v31 =	vor.u32 v33, v31;
	v34 =	vmul.f32 v34, v34;
	v30 =	vor.u32 v30, v59  }
0x146: {  	v12 =	vshrl.u32 v27, $0x1;
	v11 =	vand.u32 $0xF87F, v27;
	v62 =	vshrl.u32 v49, $0x1  }
0x147: {  	v63 =	vshll.u32 v49, $0x3;
	v53 =	vand.u32 $0xF87F, v49;
	v54 =	vshrl.u32 v49, $0x11  }
0x148: {  	v55 =	vshrl.u32 v49, $0x10;
	v49 =	vshrl.u32 v49, $0xD;
	v50 =	vand.u32 $0x380, v62  }
0x149: {  	v56 =	vand.u32 $0xF800, v55;
	v49 =	vand.u32 $0x400, v49;
	v52 =	vand.u32 $0x400, v63  }
0x14a: {  	v54 =	vand.u32 $0x380, v54;
	v60 =	vand.u32 $0x7F, v55;
	v62 =	vmul.f32 v21, v21  }
0x14b: {  	v28 =	vld [tilespmem:s24+$0x12030];
	v63 =	vshrl.u32 v45, $0x1;
	v45 =	vand.u32 $0xF87F, v45;
	v49 =	vor.u32 v49, v56  }
0x14c: {  	[tilespmem:s24+$0x16010] =	vst.add.f32.msk $0xffff, v35;
	v52 =	vor.u32 v52, v53;
	v43 =	vor.u32 v43, v45;
	v53 =	vshll.u32 v26, $0x3  }
0x14d: {  	v32 =	vld.idx.msk [tilespmem:v32+s4+$0x0], $0xffff;
	v49 =	vor.u32 v54, v49;
	v50 =	vor.u32 v50, v52;
	v52 =	vand.u32 $0x380, v63  }
0x14e: {  	v54 =	vand.u32 $0x7F, v40;
	[tilespmem:s24+$0x17030] =	vst.add.f32.msk $0xffff, v62;
	v62 =	vshll.u32 v24, $0x3;
	v58 =	vand.u32 $0x400, v53  }
0x14f: {  	v31 =	vld.idx.msk [tilespmem:v31+s4+$0x0], $0xffff;
	v53 =	vand.u32 $0x7F, v37;
	v37 =	vshrl.u32 v27, $0x10;
	v49 =	vor.u32 v60, v49  }
0x150: {  	v33 =	vor.u32 v54, v36;
	v35 =	vor.u32 v52, v43;
	v60 =	vshrl.u32 v28, $0xD  }
0x151: {  	v52 =	vshrl.u32 v24, $0x11;
	v54 =	vshrl.u32 v26, $0x11;
	v43 =	vand.u32 $0x400, v62  }
0x152: {  	v62 =	vshrl.u32 v26, $0x1;
	v26 =	vand.u32 $0xF87F, v26;
	v32 =	vsub.f32 v3, v32  }
0x153: {  	[tilespmem:s24+$0x16030] =	vst.add.f32.msk $0xffff, v34;
	v34 =	vand.u32 $0x400, v60;
	v57 =	vand.u32 $0x380, v52;
	v59 =	vand.u32 $0x380, v54  }
0x154: {  	v60 =	vshrl.u32 v24, $0x1;
	v24 =	vand.u32 $0xF87F, v24;
	v31 =	vsub.f32 v1, v31  }
0x155: {  	v26 =	vor.u32 v58, v26;
	v54 =	vand.u32 $0x380, v62;
	v58 =	vshrl.u32 v23, $0xD  }
0x156: {  	v30 =	vor.u32 v57, v30;
	v32 =	vmul.f32 v32, v32;
	v24 =	vor.u32 v43, v24  }
0x157: {  	v52 =	vand.u32 $0x380, v60;
	v26 =	vor.u32 v54, v26;
	v31 =	vmul.f32 v31, v31;
	v21 =	vld.idx.msk [tilespmem:v50+s4+$0x0], $0xffff  }
0x158: {  	v24 =	vor.u32 v52, v24;
	v52 =	vshll.u32 v27, $0x3;
	v50 =	vshll.u32 v25, $0x3;
	v48 =	vld.idx.msk [tilespmem:v49+s4+$0x0], $0xffff  }
0x159: {  	v49 =	vand.u32 $0x380, v51;
	v51 =	vand.u32 $0x380, v61;
	v61 =	vand.u32 $0xF800, v39;
	v35 =	vld.idx.msk [tilespmem:v35+s4+$0x0], $0xffff  }
0x15a: {  	v33 =	vld.idx.msk [tilespmem:v33+s4+$0x0], $0xffff;
	v55 =	vor.u32 v49, v42;
	v56 =	vor.u32 v51, v41;
	v41 =	vshrl.u32 v28, $0x10  }
0x15b: {  	v29 =	vor.u32 v29, v61;
	v49 =	vshrl.u32 v23, $0x11;
	v51 =	vshrl.u32 v25, $0x11  }
0x15c: {  	v63 =	vand.u32 $0xF800, v41;
	v29 =	vor.u32 v59, v29;
	v57 =	vand.u32 $0x7F, v41  }
0x15d: {  	v59 =	vshrl.u32 v25, $0xD;
	v54 =	vand.u32 $0x380, v49;
	v34 =	vor.u32 v34, v63  }
0x15e: {  	v63 =	vshrl.u32 v28, $0x1;
	v21 =	vsub.f32 v20, v21;
	v20 =	vsub.f32 v20, v48  }
0x15f: {  	v35 =	vsub.f32 v2, v35;
	v33 =	vsub.f32 v2, v33;
	v48 =	vand.u32 $0xF800, v37;
	v38 =	vld.idx.msk [tilespmem:v55+s4+$0x0], $0xffff  }
0x160: {  	v55 =	vshll.u32 v28, $0x3;
	v36 =	vld.idx.msk [tilespmem:v56+s4+$0x0], $0xffff;
	v56 =	vshrl.u32 v28, $0x11;
	v28 =	vand.u32 $0xF87F, v28  }
0x161: {  	[tilespmem:s24+$0x19020] =	vst.add.f32.msk $0xffff, v32;
	v32 =	vshrl.u32 v25, $0x10;
	v40 =	vand.u32 $0x400, v55;
	v61 =	vand.u32 $0x380, v56  }
0x162: {  	v35 =	vmul.f32 v35, v35;
	v33 =	vmul.f32 v33, v33;
	v55 =	vand.u32 $0x7F, v39  }
0x163: {  	v56 =	vand.u32 $0x380, v63;
	v62 =	vand.u32 $0xF800, v32;
	v63 =	vshll.u32 v23, $0x3  }
0x164: {  	[tilespmem:s23+$0x1B010] =	vst.add.f32.msk $0xffff, v22;
	s25 =	simm.s32 $0x80;
	v32 =	vand.u32 $0x7F, v32;
	v34 =	vor.u32 v61, v34;
	v22 =	vor.u32 v40, v28  }
0x165: {  	v49 =	vld [tilespmem:s25+$0x10000];
	v28 =	vor.u32 v53, v30;
	v29 =	vor.u32 v55, v29;
	v61 =	vshrl.u32 v27, $0xD  }
0x166: {  	[tilespmem:s24+$0x19010] =	vst.add.f32.msk $0xffff, v31;
	v30 =	vand.u32 $0x400, v58;
	v53 =	vshrl.u32 v27, $0x11;
	v39 =	vand.u32 $0x400, v63  }
0x167: {  	v55 =	vand.u32 $0x400, v50;
	v31 =	vor.u32 v57, v34;
	v34 =	vshrl.u32 v23, $0x10;
	[tilespmem:s24+$0x18030] =	vst.add.f32.msk $0xffff, v35  }
0x168: {  	v22 =	vor.u32 v56, v22;
	[tilespmem:s24+$0x19030] =	vst.add.f32.msk $0xffff, v33;
	v35 =	vand.u32 $0x400, v59;
	v33 =	vand.u32 $0x400, v61  }
0x169: {  	[tilespmem:s23+$0x1A010] =	vst.add.f32.msk $0xffff, v18;
	v56 =	vand.u32 $0x380, v51;
	v18 =	vand.u32 $0x380, v53;
	v57 =	vshrl.u32 v23, $0x1  }
0x16a: {  	v59 =	vand.u32 $0xF87F, v25;
	v16 =	vor.u32 v39, v16;
	v51 =	vshll.u32 v49, $0x3  }
0x16b: {  	v50 =	vld [tilespmem:s25+$0xF010];
	v53 =	vshrl.u32 v49, $0x11;
	v60 =	vand.u32 $0xF800, v34;
	v38 =	vsub.f32 v1, v38  }
0x16c: {  	v35 =	vor.u32 v35, v62;
	v36 =	vsub.f32 v3, v36;
	v30 =	vor.u32 v30, v60;
	v60 =	vld [tilespmem:s25+$0xF000]  }
0x16d: {  	v45 =	vld.idx.msk [tilespmem:v10+s4+$0x0], $0xffff;
	v33 =	vor.u32 v33, v48;
	v41 =	vand.u32 $0x380, v57;
	v38 =	vmul.f32 v38, v38  }
0x16e: {  	v48 =	vand.u32 $0x380, v12;
	v62 =	vor.u32 v56, v35;
	v36 =	vmul.f32 v36, v36;
	v31 =	vld.idx.msk [tilespmem:v31+s4+$0x0], $0xffff  }
0x16f: {  	v18 =	vor.u32 v18, v33;
	v56 =	vshrl.u32 v49, $0xD;
	v27 =	vor.u32 v54, v30;
	[tilespmem:s24+$0x18010] =	vst.add.f32.msk $0xffff, v38  }
0x170: {  	v30 =	vand.u32 $0xF87F, v50;
	[tilespmem:s24+$0x18020] =	vst.add.f32.msk $0xffff, v36;
	v36 =	vand.u32 $0x400, v52;
	v52 =	vshrl.u32 v49, $0x10  }
0x171: {  	v28 =	vld.idx.msk [tilespmem:v28+s4+$0x0], $0xffff;
	v42 =	vor.u32 v36, v11;
	v11 =	vand.u32 $0x7F, v34;
	v44 =	vshll.u32 v60, $0x3  }
0x172: {  	v26 =	vld.idx.msk [tilespmem:v26+s4+$0x0], $0xffff;
	v46 =	vshrl.u32 v60, $0x1;
	v47 =	vand.u32 $0xF87F, v60;
	v36 =	vand.u32 $0x400, v56  }
0x173: {  	v29 =	vld.idx.msk [tilespmem:v29+s4+$0x0], $0xffff;
	v60 =	vshll.u32 v50, $0x3;
	v10 =	vand.u32 $0x400, v44;
	v34 =	vand.u32 $0x380, v46  }
0x174: {  	v54 =	vld [tilespmem:s25+$0xF020];
	v27 =	vor.u32 v11, v27;
	v11 =	vor.u32 v32, v62;
	v32 =	vand.u32 $0xF800, v52  }
0x175: {  	v17 =	vld.idx.msk [tilespmem:v17+s4+$0x0], $0xffff;
	v10 =	vor.u32 v10, v47;
	v57 =	vor.u32 v36, v32;
	v61 =	vsub.f32 v2, v31  }
0x176: {  	v13 =	vld.idx.msk [tilespmem:v13+s4+$0x0], $0xffff;
	v34 =	vor.u32 v34, v10;
	v10 =	vand.u32 $0x7F, v37;
	v31 =	vand.u32 $0x400, v51  }
0x177: {  	v63 =	vld.idx.msk [tilespmem:v19+s4+$0x0], $0xffff;
	v12 =	vor.u32 v10, v18;
	v28 =	vsub.f32 v1, v28;
	v26 =	vsub.f32 v3, v26  }
0x178: {  	v58 =	vsub.f32 v3, v29;
	v19 =	vmul.f32 v61, v61;
	v29 =	vor.u32 v55, v59  }
0x179: {  	v37 =	vld [tilespmem:s25+$0xF030];
	v55 =	vand.u32 $0x7F, v52;
	v61 =	vshll.u32 v54, $0x3;
	v10 =	vor.u32 v15, v29  }
0x17a: {  	v7 =	vld.idx.msk [tilespmem:v7+s4+$0x0], $0xffff;
	v15 =	vsub.f32 v5, v17;
	v5 =	vsub.f32 v5, v45;
	v23 =	vmul.f32 v28, v28  }
0x17b: {  	v32 =	vand.u32 $0x400, v61;
	v25 =	vmul.f32 v26, v26;
	v26 =	vmul.f32 v58, v58  }
0x17c: {  	v28 =	vor.u32 v41, v16;
	v16 =	vsub.f32 v4, v63;
	v4 =	vsub.f32 v4, v13  }
0x17d: {  	v29 =	vld [tilespmem:s25+$0x14000];
	v13 =	vor.u32 v48, v42;
	v58 =	vand.u32 $0x380, v53;
	v63 =	vshrl.u32 v50, $0x1  }
0x17e: {  	v48 =	vshrl.u32 v54, $0x1;
	v18 =	vld.idx.msk [tilespmem:v34+s4+$0x0], $0xffff;
	v62 =	vshll.u32 v37, $0x3;
	v34 =	vand.u32 $0xF87F, v54  }
0x17f: {  	v17 =	vmul.f32 v16, v16;
	v16 =	vmul.f32 v4, v4;
	v4 =	vsub.f32 v6, v7  }
0x180: {  	v45 =	vld [tilespmem:s25+$0x10010];
	v6 =	vshrl.u32 v49, $0x1;
	v7 =	vand.u32 $0xF87F, v49;
	v35 =	vand.u32 $0x400, v62  }
0x181: {  	v49 =	vshrl.u32 v37, $0x1;
	v6 =	vand.u32 $0x380, v6;
	v7 =	vor.u32 v31, v7  }
0x182: {  	v31 =	vand.u32 $0x400, v60;
	v6 =	vor.u32 v6, v7;
	v7 =	vor.u32 v58, v57;
	v57 =	vld [tilespmem:s25+$0x12000]  }
0x183: {  	v59 =	vsub.f32 v29, v18;
	v18 =	vmul.f32 v5, v5;
	v5 =	vor.u32 v55, v7;
	v7 =	vld [tilespmem:s25+$0x11000]  }
0x184: {  	v37 =	vand.u32 $0xF87F, v37;
	v60 =	vand.u32 $0x380, v63;
	v30 =	vor.u32 v31, v30  }
0x185: {  	s31 =	sor.u32 $0x1C000, s26;
	v58 =	vor.u32 v32, v34;
	v61 =	vshrl.u32 v45, $0xD;
	v33 =	vmul.f32 v59, v59  }
0x186: {  	[tilespmem:s31+$0x0] =	vst.add.f32.msk $0xffff, v9;
	v9 =	vshrl.u32 v45, $0x1;
	v30 =	vor.u32 v60, v30;
	v34 =	vand.u32 $0x400, v61  }
0x187: {  	v9 =	vand.u32 $0x380, v9;
	v59 =	vor.u32 v35, v37;
	[tilespmem:s25+$0x15000] =	vst.add.f32.msk $0xffff, v33;
	v33 =	vand.u32 $0x380, v48  }
0x188: {  	v48 =	vshrl.u32 v57, $0x1;
	v50 =	vshll.u32 v7, $0x3;
	v51 =	vshrl.u32 v7, $0x1  }
0x189: {  	v52 =	vand.u32 $0xF87F, v7;
	v53 =	vshrl.u32 v7, $0x10;
	v54 =	vshrl.u32 v7, $0xD  }
0x18a: {  	v41 =	vld [tilespmem:s25+$0x10030];
	v7 =	vshrl.u32 v7, $0x11;
	v31 =	vor.u32 v33, v58;
	v33 =	vshrl.u32 v45, $0x10  }
0x18b: {  	v6 =	vld.idx.msk [tilespmem:v6+s4+$0x0], $0xffff;
	v37 =	vand.u32 $0x380, v48;
	v58 =	vshll.u32 v45, $0x3;
	v39 =	vand.u32 $0x400, v50  }
0x18c: {  	v5 =	vld.idx.msk [tilespmem:v5+s4+$0x0], $0xffff;
	v40 =	vand.u32 $0x380, v51;
	v55 =	vand.u32 $0x7F, v53;
	v42 =	vand.u32 $0xF800, v53  }
0x18d: {  	v43 =	vand.u32 $0x400, v54;
	v7 =	vand.u32 $0x380, v7;
	v50 =	vshrl.u32 v57, $0x10  }
0x18e: {  	v51 =	vshrl.u32 v57, $0xD;
	v44 =	vand.u32 $0xF800, v33;
	v33 =	vand.u32 $0x7F, v33  }
0x18f: {  	v39 =	vor.u32 v39, v52;
	v56 =	vor.u32 v43, v42;
	v42 =	vld [tilespmem:s25+$0x10020];
	v53 =	vand.u32 $0x7F, v50  }
0x190: {  	v43 =	vand.u32 $0x400, v51;
	v51 =	vand.u32 $0xF87F, v41;
	v6 =	vsub.f32 v29, v6  }
0x191: {  	v22 =	vld.idx.msk [tilespmem:v22+s4+$0x0], $0xffff;
	v39 =	vor.u32 v40, v39;
	v7 =	vor.u32 v7, v56;
	v5 =	vsub.f32 v29, v5  }
0x192: {  	v30 =	vld.idx.msk [tilespmem:v30+s4+$0x0], $0xffff;
	v40 =	vshrl.u32 v57, $0x11;
	v7 =	vor.u32 v55, v7;
	v6 =	vmul.f32 v6, v6  }
0x193: {  	v56 =	vshrl.u32 v41, $0xD;
	v40 =	vand.u32 $0x380, v40;
	v31 =	vld.idx.msk [tilespmem:v31+s4+$0x0], $0xffff;
	v5 =	vmul.f32 v5, v5  }
0x194: {  	v46 =	vand.u32 $0x400, v56;
	v56 =	vand.u32 $0x400, v58;
	v55 =	vshrl.u32 v42, $0xD;
	[tilespmem:s25+$0x16000] =	vst.add.f32.msk $0xffff, v6  }
0x195: {  	v60 =	vshll.u32 v42, $0x3;
	v61 =	vshrl.u32 v42, $0x11;
	v6 =	vand.u32 $0x380, v49;
	[tilespmem:s25+$0x17000] =	vst.add.f32.msk $0xffff, v5  }
0x196: {  	v60 =	vand.u32 $0x400, v60;
	v49 =	vand.u32 $0xF87F, v57;
	v32 =	vor.u32 v6, v59;
	v62 =	vld.idx.msk [tilespmem:v39+s4+$0x0], $0xffff  }
0x197: {  	v63 =	vld.idx.msk [tilespmem:v7+s4+$0x0], $0xffff;
	v6 =	vshll.u32 v57, $0x3;
	v39 =	vand.u32 $0xF800, v50;
	v59 =	vshrl.u32 v45, $0x11  }
0x198: {  	v5 =	vld [tilespmem:s25+$0x14020];
	v45 =	vand.u32 $0xF87F, v45;
	v52 =	vand.u32 $0x400, v6;
	v39 =	vor.u32 v43, v39  }
0x199: {  	v7 =	vld [tilespmem:s25+$0x14010];
	v43 =	vshrl.u32 v41, $0x10;
	v38 =	vor.u32 v52, v49;
	v54 =	vor.u32 v40, v39  }
0x19a: {  	v6 =	vld [tilespmem:s25+$0x14030];
	v39 =	vshrl.u32 v42, $0x10;
	v40 =	vand.u32 $0x400, v55;
	v47 =	vand.u32 $0xF800, v43  }
0x19b: {  	v37 =	vor.u32 v37, v38;
	v38 =	vor.u32 v53, v54;
	v35 =	vsub.f32 v29, v62;
	v32 =	vld.idx.msk [tilespmem:v32+s4+$0x0], $0xffff  }
0x19c: {  	v24 =	vld.idx.msk [tilespmem:v24+s4+$0x0], $0xffff;
	v57 =	vand.u32 $0xF800, v39;
	v54 =	vor.u32 v34, v44;
	v36 =	vsub.f32 v29, v63  }
0x19d: {  	[tilespmem:s24+$0x1B010] =	vst.add.f32.msk $0xffff, v23;
	v31 =	vsub.f32 v5, v31;
	v55 =	vor.u32 v40, v57;
	v35 =	vmul.f32 v35, v35  }
0x19e: {  	[tilespmem:s24+$0x1B020] =	vst.add.f32.msk $0xffff, v26;
	v57 =	vand.u32 $0x380, v59;
	v30 =	vsub.f32 v7, v30;
	v36 =	vmul.f32 v36, v36  }
0x19f: {  	v59 =	vor.u32 v46, v47;
	v63 =	vshrl.u32 v41, $0x11;
	v53 =	vmul.f32 v31, v31;
	[tilespmem:s25+$0x18000] =	vst.add.f32.msk $0xffff, v35  }
0x1a0: {  	v31 =	vor.u32 v57, v54;
	v52 =	vmul.f32 v30, v30;
	[tilespmem:s25+$0x19000] =	vst.add.f32.msk $0xffff, v36;
	v32 =	vsub.f32 v6, v32  }
0x1a1: {  	v30 =	vand.u32 $0x380, v63;
	v63 =	vshrl.u32 v42, $0x1;
	v46 =	vor.u32 v33, v31;
	v37 =	vld.idx.msk [tilespmem:v37+s4+$0x0], $0xffff  }
0x1a2: {  	v42 =	vand.u32 $0xF87F, v42;
	v38 =	vld.idx.msk [tilespmem:v38+s4+$0x0], $0xffff;
	v40 =	vmul.f32 v32, v32;
	v32 =	vor.u32 v56, v45  }
0x1a3: {  	v54 =	vor.u32 v60, v42;
	v42 =	vld [tilespmem:s25+$0x11020];
	v56 =	vand.u32 $0x380, v63;
	v9 =	vor.u32 v9, v32  }
0x1a4: {  	v49 =	vshrl.u32 v41, $0x1;
	v62 =	vshll.u32 v41, $0x3;
	[tilespmem:s25+$0x15020] =	vst.add.f32.msk $0xffff, v53;
	v41 =	vor.u32 v56, v54  }
0x1a5: {  	v14 =	vmul.f32 v14, v14;
	v22 =	vsub.f32 v2, v22;
	v24 =	vsub.f32 v1, v24;
	[tilespmem:s25+$0x15010] =	vst.add.f32.msk $0xffff, v52  }
0x1a6: {  	v21 =	vmul.f32 v21, v21;
	v20 =	vmul.f32 v20, v20;
	v46 =	vld.idx.msk [tilespmem:v46+s4+$0x0], $0xffff;
	v58 =	vsub.f32 v29, v37  }
0x1a7: {  	s28 =	simm.s32 $0x80;
	v22 =	vmul.f32 v22, v22;
	v24 =	vmul.f32 v24, v24;
	v38 =	vsub.f32 v29, v38;
	v37 =	vld [tilespmem:s25+$0x11030]  }
0x1a8: {  	s30 =	sand.u32 $0xFC0, s28;
	v61 =	vand.u32 $0x380, v61;
	v39 =	vand.u32 $0x7F, v39;
	v36 =	vmul.f32 v58, v58;
	v9 =	vld.idx.msk [tilespmem:v9+s4+$0x0], $0xffff  }
0x1a9: {  	s31 =	sor.u32 $0x1A000, s30;
	v57 =	vand.u32 $0x7F, v43;
	v30 =	vor.u32 v30, v59;
	v38 =	vmul.f32 v38, v38;
	v41 =	vld.idx.msk [tilespmem:v41+s4+$0x0], $0xffff  }
0x1aa: {  	v50 =	vor.u32 v61, v55;
	v62 =	vand.u32 $0x400, v62;
	v43 =	vor.u32 v57, v30;
	[tilespmem:s31+$0x0] =	vst.add.f32.msk $0xffff, v36;
	s31 =	sor.u32 $0x1B000, s30  }
0x1ab: {  	v15 =	vmul.f32 v15, v15;
	v39 =	vor.u32 v39, v50;
	v55 =	vor.u32 v62, v51;
	[tilespmem:s31+$0x0] =	vst.add.f32.msk $0xffff, v38  }
0x1ac: {  	v44 =	vshrl.u32 v42, $0x10;
	v59 =	vshrl.u32 v42, $0xD;
	v26 =	vand.u32 $0xF87F, v42;
	v38 =	vld [tilespmem:s25+$0x11010]  }
0x1ad: {  	[tilespmem:s24+$0x1A010] =	vst.add.f32.msk $0xffff, v24;
	v63 =	vand.u32 $0xF800, v44;
	v47 =	vand.u32 $0x400, v59;
	v46 =	vsub.f32 v7, v46  }
0x1ae: {  	[tilespmem:s25+$0x15030] =	vst.add.f32.msk $0xffff, v40;
	v36 =	vand.u32 $0x380, v49;
	v49 =	vshrl.u32 v37, $0x10;
	v61 =	vshrl.u32 v37, $0xD  }
0x1af: {  	v47 =	vor.u32 v47, v63;
	v43 =	vld.idx.msk [tilespmem:v43+s4+$0x0], $0xffff;
	v57 =	vand.u32 $0xF800, v49;
	v51 =	vand.u32 $0x400, v61  }
0x1b0: {  	v46 =	vmul.f32 v46, v46;
	v36 =	vor.u32 v36, v55;
	v48 =	vld [tilespmem:s25+$0x13000];
	v51 =	vor.u32 v51, v57  }
0x1b1: {  	v35 =	vld [tilespmem:s25+$0x12020];
	s31 =	sor.u32 $0x1C000, s29;
	v9 =	vsub.f32 v7, v9;
	v41 =	vsub.f32 v5, v41;
	v45 =	vshrl.u32 v38, $0x10  }
0x1b2: {  	[tilespmem:s31+$0x0] =	vst.add.f32.msk $0xffff, v21;
	s31 =	sor.u32 $0x1D000, s29;
	v58 =	vshrl.u32 v38, $0xD;
	v56 =	vshll.u32 v38, $0x3;
	v53 =	vshrl.u32 v38, $0x11  }
0x1b3: {  	[tilespmem:s31+$0x0] =	vst.add.f32.msk $0xffff, v20;
	v20 =	vshrl.u32 v38, $0x1;
	v23 =	vand.u32 $0xF87F, v38;
	v24 =	vmul.f32 v9, v9  }
0x1b4: {  	v9 =	vsub.f32 v6, v43;
	v60 =	vand.u32 $0xF800, v45;
	v62 =	vand.u32 $0x400, v58  }
0x1b5: {  	s26 =	sor.u32 $0x1D000, s26;
	v59 =	vshll.u32 v48, $0x3;
	v61 =	vshrl.u32 v48, $0x11;
	v40 =	vshrl.u32 v48, $0x10  }
0x1b6: {  	[tilespmem:s26+$0x0] =	vst.add.f32.msk $0xffff, v8;
	v56 =	vand.u32 $0x400, v56;
	v8 =	vand.u32 $0x380, v53;
	v20 =	vand.u32 $0x380, v20  }
0x1b7: {  	[tilespmem:s24+$0x1A030] =	vst.add.f32.msk $0xffff, v22;
	v22 =	vand.u32 $0x7F, v45;
	v53 =	vshrl.u32 v35, $0x11;
	v50 =	vor.u32 v62, v60  }
0x1b8: {  	[tilespmem:s24+$0x1B030] =	vst.add.f32.msk $0xffff, v19;
	v60 =	vand.u32 $0xF87F, v48;
	v62 =	vshrl.u32 v48, $0xD;
	v52 =	vand.u32 $0x400, v59  }
0x1b9: {  	[tilespmem:s24+$0x1A020] =	vst.add.f32.msk $0xffff, v25;
	v63 =	vand.u32 $0xF800, v40;
	v54 =	vand.u32 $0x380, v61;
	v48 =	vshrl.u32 v48, $0x1  }
0x1ba: {  	[tilespmem:s23+$0x1C020] =	vst.add.f32.msk $0xffff, v15;
	v61 =	vshrl.u32 v42, $0x11;
	v40 =	vand.u32 $0x7F, v40;
	v23 =	vor.u32 v56, v23  }
0x1bb: {  	v34 =	vld [tilespmem:s25+$0x12010];
	v56 =	vand.u32 $0x7F, v44;
	v55 =	vand.u32 $0x400, v62;
	v52 =	vor.u32 v52, v60  }
0x1bc: {  	v39 =	vld.idx.msk [tilespmem:v39+s4+$0x0], $0xffff;
	v60 =	vshll.u32 v42, $0x3;
	v48 =	vand.u32 $0x380, v48;
	v62 =	vshll.u32 v37, $0x3  }
0x1bd: {  	v36 =	vld.idx.msk [tilespmem:v36+s4+$0x0], $0xffff;
	v50 =	vor.u32 v8, v50;
	v8 =	vand.u32 $0xF87F, v37;
	v20 =	vor.u32 v20, v23  }
0x1be: {  	v33 =	vld [tilespmem:s25+$0x12030];
	v55 =	vor.u32 v55, v63;
	v48 =	vor.u32 v48, v52;
	v63 =	vshrl.u32 v37, $0x11  }
0x1bf: {  	v31 =	vld [tilespmem:s25+$0x13020];
	v59 =	vand.u32 $0x400, v60;
	v21 =	vand.u32 $0x400, v62;
	v62 =	vmul.f32 v41, v41  }
0x1c0: {  	v30 =	vld [tilespmem:s25+$0x13030];
	v41 =	vmul.f32 v9, v9;
	v9 =	vshrl.u32 v37, $0x1;
	v22 =	vor.u32 v22, v50  }
0x1c1: {  	v32 =	vld [tilespmem:s25+$0x13010];
	v52 =	vshll.u32 v35, $0x3;
	v54 =	vor.u32 v54, v55;
	v55 =	vand.u32 $0x380, v61  }
0x1c2: {  	[tilespmem:s25+$0x17010] =	vst.add.f32.msk $0xffff, v46;
	v60 =	vand.u32 $0x380, v63;
	v61 =	vsub.f32 v5, v39;
	v36 =	vsub.f32 v6, v36  }
0x1c3: {  	[tilespmem:s25+$0x16010] =	vst.add.f32.msk $0xffff, v24;
	v63 =	vshrl.u32 v42, $0x1;
	v26 =	vor.u32 v59, v26;
	v21 =	vor.u32 v21, v8  }
0x1c4: {  	v57 =	vand.u32 $0x380, v9;
	v8 =	vld.idx.msk [tilespmem:v28+s4+$0x0], $0xffff;
	v59 =	vand.u32 $0x7F, v49;
	v39 =	vshrl.u32 v33, $0x10  }
0x1c5: {  	v9 =	vld.idx.msk [tilespmem:v27+s4+$0x0], $0xffff;
	v49 =	vshll.u32 v34, $0x3;
	v40 =	vor.u32 v40, v54;
	v47 =	vor.u32 v55, v47  }
0x1c6: {  	v55 =	vor.u32 v60, v51;
	v19 =	vand.u32 $0x380, v63;
	v21 =	vor.u32 v57, v21;
	[tilespmem:s25+$0x16020] =	vst.add.f32.msk $0xffff, v62  }
0x1c7: {  	v60 =	vshrl.u32 v34, $0xD;
	v62 =	vshrl.u32 v33, $0xD;
	[tilespmem:s25+$0x17030] =	vst.add.f32.msk $0xffff, v41;
	v50 =	vand.u32 $0xF800, v39  }
0x1c8: {  	v51 =	vshrl.u32 v34, $0x11;
	v41 =	vand.u32 $0x400, v49;
	v25 =	vmul.f32 v61, v61;
	v20 =	vld.idx.msk [tilespmem:v20+s4+$0x0], $0xffff  }
0x1c9: {  	v49 =	vshrl.u32 v31, $0xD;
	v36 =	vmul.f32 v36, v36;
	v58 =	vor.u32 v56, v47;
	v48 =	vld.idx.msk [tilespmem:v48+s4+$0x0], $0xffff  }
0x1ca: {  	v23 =	vor.u32 v59, v55;
	v26 =	vor.u32 v19, v26;
	v61 =	vshrl.u32 v35, $0xD;
	[tilespmem:s25+$0x17020] =	vst.add.f32.msk $0xffff, v25  }
0x1cb: {  	v63 =	vand.u32 $0x400, v60;
	v55 =	vshrl.u32 v33, $0x11;
	v57 =	vand.u32 $0x380, v51;
	[tilespmem:s25+$0x16030] =	vst.add.f32.msk $0xffff, v36  }
0x1cc: {  	v59 =	vand.u32 $0x380, v53;
	v60 =	vshrl.u32 v34, $0x1;
	v51 =	vshll.u32 v32, $0x3;
	v22 =	vld.idx.msk [tilespmem:v22+s4+$0x0], $0xffff  }
0x1cd: {  	v53 =	vshrl.u32 v32, $0x11;
	v38 =	vand.u32 $0x400, v61;
	v61 =	vand.u32 $0x380, v55;
	v54 =	vld.idx.msk [tilespmem:v40+s4+$0x0], $0xffff  }
0x1ce: {  	v15 =	vand.u32 $0x380, v60;
	v55 =	vshrl.u32 v31, $0x11;
	v40 =	vand.u32 $0x400, v62;
	v21 =	vld.idx.msk [tilespmem:v21+s4+$0x0], $0xffff  }
0x1cf: {  	v60 =	vand.u32 $0x380, v55;
	v62 =	vshrl.u32 v35, $0x1;
	v26 =	vld.idx.msk [tilespmem:v26+s4+$0x0], $0xffff;
	v56 =	vor.u32 v40, v50  }
0x1d0: {  	v28 =	vld.idx.msk [tilespmem:v58+s4+$0x0], $0xffff;
	v58 =	vand.u32 $0x400, v52;
	v50 =	vshrl.u32 v30, $0xD;
	v20 =	vsub.f32 v7, v20  }
0x1d1: {  	v23 =	vld.idx.msk [tilespmem:v23+s4+$0x0], $0xffff;
	v43 =	vor.u32 v61, v56;
	v56 =	vshrl.u32 v30, $0x11;
	v27 =	vsub.f32 v29, v48  }
0x1d2: {  	v22 =	vsub.f32 v7, v22;
	v61 =	vand.u32 $0x380, v56;
	v20 =	vmul.f32 v20, v20  }
0x1d3: {  	v29 =	vsub.f32 v29, v54;
	v24 =	vmul.f32 v27, v27;
	v27 =	vshrl.u32 v34, $0x10  }
0x1d4: {  	[tilespmem:s23+$0x1C030] =	vst.add.f32.msk $0xffff, v14;
	v54 =	vshll.u32 v33, $0x3;
	v34 =	vand.u32 $0xF87F, v34;
	v22 =	vmul.f32 v22, v22  }
0x1d5: {  	v12 =	vld.idx.msk [tilespmem:v12+s4+$0x0], $0xffff;
	v21 =	vsub.f32 v6, v21;
	v25 =	vand.u32 $0xF800, v27;
	v26 =	vsub.f32 v5, v26  }
0x1d6: {  	[tilespmem:s23+$0x1D010] =	vst.add.f32.msk $0xffff, v16;
	v36 =	vand.u32 $0x400, v54;
	v28 =	vsub.f32 v5, v28;
	v23 =	vsub.f32 v6, v23  }
0x1d7: {  	[tilespmem:s23+$0x1D020] =	vst.add.f32.msk $0xffff, v18;
	v16 =	vor.u32 v41, v34;
	v18 =	vand.u32 $0x7F, v27;
	v27 =	vand.u32 $0x380, v62  }
0x1d8: {  	v11 =	vld.idx.msk [tilespmem:v11+s4+$0x0], $0xffff;
	v54 =	vshll.u32 v31, $0x3;
	v34 =	vand.u32 $0x400, v51;
	v62 =	vshrl.u32 v32, $0x1  }
0x1d9: {  	[tilespmem:s23+$0x1C010] =	vst.add.f32.msk $0xffff, v17;
	v19 =	vmul.f32 v29, v29;
	v29 =	vshrl.u32 v35, $0x10;
	v25 =	vor.u32 v63, v25  }
0x1da: {  	[tilespmem:s25+$0x18010] =	vst.add.f32.msk $0xffff, v20;
	v35 =	vand.u32 $0xF87F, v35;
	v63 =	vshrl.u32 v33, $0x1;
	v33 =	vand.u32 $0xF87F, v33  }
0x1db: {  	s31 =	sor.u32 $0x1C000, s30;
	v21 =	vmul.f32 v21, v21;
	[tilespmem:s25+$0x19010] =	vst.add.f32.msk $0xffff, v22;
	v15 =	vor.u32 v15, v16;
	v48 =	vand.u32 $0xF800, v29  }
0x1dc: {  	[tilespmem:s31+$0x0] =	vst.add.f32.msk $0xffff, v24;
	v25 =	vor.u32 v57, v25;
	v26 =	vmul.f32 v26, v26;
	v17 =	vmul.f32 v28, v28  }
0x1dd: {  	v45 =	vor.u32 v58, v35;
	v18 =	vor.u32 v18, v25;
	v25 =	vand.u32 $0x7F, v39;
	[tilespmem:s25+$0x18030] =	vst.add.f32.msk $0xffff, v21  }
0x1de: {  	v23 =	vmul.f32 v23, v23;
	v37 =	vor.u32 v38, v48;
	v22 =	vor.u32 v25, v43;
	[tilespmem:s25+$0x18020] =	vst.add.f32.msk $0xffff, v26  }
0x1df: {  	v29 =	vand.u32 $0x7F, v29;
	v37 =	vor.u32 v59, v37;
	v26 =	vor.u32 v27, v45;
	[tilespmem:s25+$0x19020] =	vst.add.f32.msk $0xffff, v17  }
0x1e0: {  	v33 =	vor.u32 v36, v33;
	v20 =	vand.u32 $0x380, v63;
	[tilespmem:s25+$0x19030] =	vst.add.f32.msk $0xffff, v23;
	v16 =	vor.u32 v29, v37  }
0x1e1: {  	v24 =	vshrl.u32 v31, $0x1;
	v58 =	vand.u32 $0x380, v53;
	v20 =	vor.u32 v20, v33;
	v15 =	vld.idx.msk [tilespmem:v15+s4+$0x0], $0xffff  }
0x1e2: {  	v48 =	vshrl.u32 v31, $0x10;
	v33 =	vand.u32 $0x400, v50;
	v25 =	vshrl.u32 v32, $0x10;
	v18 =	vld.idx.msk [tilespmem:v18+s4+$0x0], $0xffff  }
0x1e3: {  	v27 =	vshrl.u32 v32, $0xD;
	v17 =	vshrl.u32 v30, $0x10;
	v59 =	vand.u32 $0x400, v54;
	v22 =	vld.idx.msk [tilespmem:v22+s4+$0x0], $0xffff  }
0x1e4: {  	v32 =	vand.u32 $0xF87F, v32;
	v21 =	vand.u32 $0xF800, v25;
	v23 =	vand.u32 $0x400, v27;
	v26 =	vld.idx.msk [tilespmem:v26+s4+$0x0], $0xffff  }
0x1e5: {  	v27 =	vand.u32 $0xF800, v48;
	v29 =	vand.u32 $0x400, v49;
	v52 =	vand.u32 $0xF800, v17;
	v16 =	vld.idx.msk [tilespmem:v16+s4+$0x0], $0xffff  }
0x1e6: {  	v25 =	vand.u32 $0x7F, v25;
	v21 =	vor.u32 v23, v21;
	v20 =	vld.idx.msk [tilespmem:v20+s4+$0x0], $0xffff;
	v14 =	vsub.f32 v7, v15  }
0x1e7: {  	v10 =	vld.idx.msk [tilespmem:v10+s4+$0x0], $0xffff;
	s31 =	sor.u32 $0x1D000, s30;
	v23 =	vshll.u32 v30, $0x3;
	v27 =	vor.u32 v29, v27;
	v18 =	vsub.f32 v7, v18  }
0x1e8: {  	[tilespmem:s31+$0x0] =	vst.add.f32.msk $0xffff, v19;
	v57 =	vor.u32 v33, v52;
	v19 =	vmul.f32 v14, v14;
	v22 =	vsub.f32 v6, v22  }
0x1e9: {  	v13 =	vld.idx.msk [tilespmem:v13+s4+$0x0], $0xffff;
	v23 =	vand.u32 $0x400, v23;
	v15 =	vmul.f32 v18, v18;
	v18 =	vsub.f32 v5, v26  }
0x1ea: {  	v14 =	vshrl.u32 v30, $0x1;
	v16 =	vsub.f32 v5, v16;
	[tilespmem:s25+$0x1A010] =	vst.add.f32.msk $0xffff, v19;
	v63 =	vmul.f32 v22, v22  }
0x1eb: {  	v30 =	vand.u32 $0xF87F, v30;
	[tilespmem:s25+$0x1B010] =	vst.add.f32.msk $0xffff, v15;
	v15 =	vmul.f32 v18, v18;
	v18 =	vsub.f32 v6, v20  }
0x1ec: {  	v26 =	vand.u32 $0xF87F, v31;
	v19 =	vor.u32 v34, v32;
	v20 =	vmul.f32 v16, v16;
	[tilespmem:s25+$0x1B030] =	vst.add.f32.msk $0xffff, v63  }
0x1ed: {  	v22 =	vand.u32 $0x380, v62;
	[tilespmem:s25+$0x1A020] =	vst.add.f32.msk $0xffff, v15;
	v15 =	vor.u32 v60, v27;
	v27 =	vmul.f32 v18, v18  }
0x1ee: {  	v16 =	vor.u32 v58, v21;
	v21 =	vor.u32 v59, v26;
	[tilespmem:s25+$0x1B020] =	vst.add.f32.msk $0xffff, v20;
	v18 =	vor.u32 v61, v57  }
0x1ef: {  	s26 =	simm.s32 $0x8;
	s29 =	simm.s32 $0x300;
	v20 =	vor.u32 v23, v30;
	v23 =	vand.u32 $0x380, v24;
	v24 =	vand.u32 $0x7F, v48;
	[tilespmem:s25+$0x1A030] =	vst.add.f32.msk $0xffff, v27  }
.LBB2_9:
0x1f0: {  	s30 =	sshra.s32 s29, $0x2;
	v36 =	vor.u32 v25, v16;
	v14 =	vand.u32 $0x380, v14;
	v16 =	vand.u32 $0x7F, v17  }
0x1f1: {  	v38 =	vor.u32 v22, v19;
	v35 =	vor.u32 v24, v15;
	v17 =	vld [tilespmem:s30+$0xF000];
	v28 =	vor.u32 v16, v18  }
0x1f2: {  	v37 =	vor.u32 v23, v21;
	v8 =	vsub.f32 v1, v8;
	v33 =	vor.u32 v14, v20;
	v15 =	vld [tilespmem:s30+$0xF010]  }
0x1f3: {  	v9 =	vsub.f32 v1, v9;
	v10 =	vsub.f32 v3, v10;
	v24 =	vmul.f32 v4, v4;
	v1 =	vmovc v7;
	v14 =	vld [tilespmem:s30+$0xF020]  }
0x1f4: {  	v7 =	vsub.f32 v3, v11;
	v3 =	vmovc v5;
	v32 =	vmul.f32 v8, v8;
	v8 =	vsub.f32 v2, v13;
	v16 =	vld [tilespmem:s30+$0xF030]  }
0x1f5: {  	s26 =	sadd.s32 $0x4, s26;
	v4 =	vsub.f32 v2, v12;
	v34 =	vmul.f32 v9, v9;
	v31 =	vmul.f32 v10, v10;
	v2 =	vmovc v6;
	v27 =	vld [tilespmem:s30+$0x10010]  }
0x1f6: {  	p0 =	slt.u32 s26, $0xFC;
	v26 =	vmul.f32 v7, v7;
	v25 =	vmul.f32 v8, v8;
	v5 =	vshll.u32 v17, $0x3;
	v29 =	vld [tilespmem:s30+$0x10020]  }
0x1f7: {  	v6 =	vshrl.u32 v17, $0x1;
	v7 =	vand.u32 $0xF87F, v17;
	v5 =	vand.u32 $0x400, v5;
	v30 =	vld [tilespmem:s30+$0x10030]  }
0x1f8: {  	v6 =	vand.u32 $0x380, v6;
	v8 =	vshll.u32 v15, $0x3;
	v5 =	vor.u32 v5, v7;
	v7 =	vld [tilespmem:s30+$0x14010]  }
0x1f9: {  	v9 =	vor.u32 v6, v5;
	v5 =	vld [tilespmem:s30+$0x14020];
	v6 =	vshll.u32 v14, $0x3;
	v10 =	vshll.u32 v16, $0x3  }
0x1fa: {  	v8 =	vand.u32 $0x400, v8;
	v11 =	vld [tilespmem:s30+$0x10000];
	v12 =	vand.u32 $0x400, v6;
	v10 =	vand.u32 $0x400, v10  }
0x1fb: {  	v13 =	vshrl.u32 v15, $0x1;
	v15 =	vand.u32 $0xF87F, v15;
	v17 =	vshrl.u32 v14, $0x1;
	v6 =	vld [tilespmem:s30+$0x14030]  }
0x1fc: {  	v14 =	vand.u32 $0xF87F, v14;
	v18 =	vshrl.u32 v16, $0x1;
	v16 =	vand.u32 $0xF87F, v16;
	v22 =	vld [tilespmem:s30+$0x11010]  }
0x1fd: {  	v8 =	vor.u32 v8, v15;
	v12 =	vor.u32 v12, v14;
	v10 =	vor.u32 v10, v16;
	v21 =	vld [tilespmem:s30+$0x11020]  }
0x1fe: {  	v13 =	vand.u32 $0x380, v13;
	v15 =	vand.u32 $0x380, v17;
	v16 =	vand.u32 $0x380, v18;
	v9 =	vld.idx.msk [tilespmem:v9+s4+$0x0], $0xffff  }
0x1ff: {  	v8 =	vor.u32 v13, v8;
	v20 =	vld [tilespmem:s30+$0x14000];
	v14 =	vshrl.u32 v11, $0x1;
	v19 =	vand.u32 $0xF87F, v11  }
0x200: {  	v13 =	vshll.u32 v11, $0x3;
	v18 =	vshrl.u32 v11, $0x10;
	v39 =	vshrl.u32 v11, $0x11;
	v23 =	vld [tilespmem:s30+$0x11030]  }
0x201: {  	v11 =	vshrl.u32 v11, $0xD;
	v14 =	vand.u32 $0x380, v14;
	v40 =	vand.u32 $0x7F, v18;
	v17 =	vld [tilespmem:s30+$0x12010]  }
0x202: {  	v13 =	vand.u32 $0x400, v13;
	v41 =	vand.u32 $0xF800, v18;
	v11 =	vand.u32 $0x400, v11;
	v18 =	vld [tilespmem:s30+$0x12020]  }
0x203: {  	v39 =	vand.u32 $0x380, v39;
	v13 =	vor.u32 v13, v19;
	v11 =	vor.u32 v11, v41;
	v19 =	vld [tilespmem:s30+$0x12030]  }
0x204: {  	v13 =	vor.u32 v14, v13;
	v11 =	vor.u32 v39, v11;
	v9 =	vsub.f32 v20, v9;
	v8 =	vld.idx.msk [tilespmem:v8+s4+$0x0], $0xffff  }
0x205: {  	v12 =	vor.u32 v15, v12;
	v10 =	vor.u32 v16, v10;
	v11 =	vor.u32 v40, v11;
	v14 =	vld [tilespmem:s30+$0x13010]  }
0x206: {  	v42 =	vshrl.u32 v27, $0xD;
	v41 =	vshrl.u32 v27, $0x10;
	v9 =	vmul.f32 v9, v9;
	v16 =	vld [tilespmem:s30+$0x11000]  }
0x207: {  	v43 =	vshrl.u32 v29, $0xD;
	v39 =	vshrl.u32 v30, $0x10;
	v40 =	vshrl.u32 v29, $0x10;
	v15 =	vld [tilespmem:s30+$0x13020]  }
0x208: {  	v42 =	vand.u32 $0x400, v42;
	v44 =	vand.u32 $0xF800, v41;
	[tilespmem:s30+$0x15000] =	vst.add.f32.msk $0xffff, v9;
	v9 =	vshrl.u32 v30, $0xD  }
0x209: {  	v43 =	vand.u32 $0x400, v43;
	v46 =	vand.u32 $0xF800, v39;
	v45 =	vand.u32 $0xF800, v40;
	v13 =	vld.idx.msk [tilespmem:v13+s4+$0x0], $0xffff  }
0x20a: {  	v48 =	vshll.u32 v27, $0x3;
	v47 =	vsub.f32 v7, v8;
	v49 =	vand.u32 $0x400, v9;
	v11 =	vld.idx.msk [tilespmem:v11+s4+$0x0], $0xffff  }
0x20b: {  	v8 =	vshll.u32 v16, $0x3;
	v9 =	vshrl.u32 v16, $0x1;
	v50 =	vand.u32 $0xF87F, v16;
	v12 =	vld.idx.msk [tilespmem:v12+s4+$0x0], $0xffff  }
0x20c: {  	v51 =	vshrl.u32 v16, $0x10;
	v52 =	vshrl.u32 v16, $0xD;
	v53 =	vshrl.u32 v16, $0x11;
	v54 =	vld.idx.msk [tilespmem:v10+s4+$0x0], $0xffff  }
0x20d: {  	v10 =	vand.u32 $0x400, v8;
	v55 =	vand.u32 $0x380, v9;
	v56 =	vand.u32 $0x7F, v51;
	v16 =	vld [tilespmem:s30+$0x13030]  }
0x20e: {  	v9 =	vand.u32 $0xF800, v51;
	v51 =	vand.u32 $0x400, v52;
	v52 =	vand.u32 $0x380, v53;
	v8 =	vld.idx.msk [tilespmem:v38+s4+$0x0], $0xffff  }
0x20f: {  	v10 =	vor.u32 v10, v50;
	v13 =	vsub.f32 v20, v13;
	v38 =	vor.u32 v51, v9;
	v9 =	vld.idx.msk [tilespmem:v36+s4+$0x0], $0xffff  }
0x210: {  	v50 =	vor.u32 v55, v10;
	v36 =	vsub.f32 v20, v11;
	v11 =	vor.u32 v52, v38;
	v10 =	vld.idx.msk [tilespmem:v37+s4+$0x0], $0xffff  }
0x211: {  	v13 =	vmul.f32 v13, v13;
	v37 =	vor.u32 v56, v11;
	v12 =	vsub.f32 v5, v12;
	v11 =	vld.idx.msk [tilespmem:v35+s4+$0x0], $0xffff  }
0x212: {  	v38 =	vshrl.u32 v27, $0x11;
	v35 =	vmul.f32 v36, v36;
	v51 =	vsub.f32 v6, v54;
	v36 =	vld [tilespmem:s30+$0x12000]  }
0x213: {  	v53 =	vshrl.u32 v29, $0x11;
	v52 =	vshll.u32 v29, $0x3;
	v54 =	vshll.u32 v30, $0x3;
	[tilespmem:s30+$0x16000] =	vst.add.f32.msk $0xffff, v13  }
0x214: {  	v12 =	vmul.f32 v12, v12;
	v13 =	vmul.f32 v47, v47;
	[tilespmem:s30+$0x17000] =	vst.add.f32.msk $0xffff, v35;
	v35 =	vshrl.u32 v30, $0x11  }
0x215: {  	v42 =	vor.u32 v42, v44;
	v43 =	vor.u32 v43, v45;
	v44 =	vmul.f32 v51, v51;
	v47 =	vld.idx.msk [tilespmem:v50+s4+$0x0], $0xffff  }
0x216: {  	v45 =	vand.u32 $0x400, v48;
	v46 =	vor.u32 v49, v46;
	v38 =	vand.u32 $0x380, v38;
	v37 =	vld.idx.msk [tilespmem:v37+s4+$0x0], $0xffff  }
0x217: {  	v48 =	vshll.u32 v36, $0x3;
	v49 =	vshrl.u32 v36, $0x1;
	v50 =	vand.u32 $0xF87F, v36;
	[tilespmem:s30+$0x15010] =	vst.add.f32.msk $0xffff, v13  }
0x218: {  	v13 =	vshrl.u32 v36, $0x10;
	v51 =	vshrl.u32 v36, $0xD;
	v36 =	vshrl.u32 v36, $0x11;
	[tilespmem:s30+$0x15020] =	vst.add.f32.msk $0xffff, v12  }
0x219: {  	v12 =	vand.u32 $0x400, v48;
	v48 =	vand.u32 $0x380, v49;
	v49 =	vand.u32 $0x7F, v13;
	[tilespmem:s30+$0x15030] =	vst.add.f32.msk $0xffff, v44  }
0x21a: {  	v51 =	vand.u32 $0x400, v51;
	v36 =	vand.u32 $0x380, v36;
	v44 =	vand.u32 $0xF800, v13;
	v13 =	vld.idx.msk [tilespmem:v33+s4+$0x0], $0xffff  }
0x21b: {  	v33 =	vsub.f32 v20, v47;
	v47 =	vor.u32 v12, v50;
	v44 =	vor.u32 v51, v44;
	v12 =	vld.idx.msk [tilespmem:v28+s4+$0x0], $0xffff  }
0x21c: {  	v28 =	vsub.f32 v20, v37;
	v37 =	vor.u32 v48, v47;
	v36 =	vor.u32 v36, v44;
	[tilespmem:s24+$0x1C010] =	vst.add.f32.msk $0xffff, v32  }
0x21d: {  	v32 =	vmul.f32 v33, v33;
	v33 =	vor.u32 v49, v36;
	v36 =	vand.u32 $0x400, v52;
	[tilespmem:s24+$0x1D010] =	vst.add.f32.msk $0xffff, v34  }
0x21e: {  	v44 =	vand.u32 $0x400, v54;
	v28 =	vmul.f32 v28, v28;
	v34 =	vand.u32 $0x380, v53;
	[tilespmem:s24+$0x1C020] =	vst.add.f32.msk $0xffff, v31  }
0x21f: {  	v31 =	vshrl.u32 v27, $0x1;
	v27 =	vand.u32 $0xF87F, v27;
	[tilespmem:s30+$0x18000] =	vst.add.f32.msk $0xffff, v32;
	v32 =	vand.u32 $0x380, v35  }
0x220: {  	v35 =	vshrl.u32 v30, $0x1;
	[tilespmem:s30+$0x19000] =	vst.add.f32.msk $0xffff, v28;
	v28 =	vshrl.u32 v29, $0x1;
	v29 =	vand.u32 $0xF87F, v29  }
0x221: {  	v38 =	vor.u32 v38, v42;
	v34 =	vor.u32 v34, v43;
	v30 =	vand.u32 $0xF87F, v30;
	v37 =	vld.idx.msk [tilespmem:v37+s4+$0x0], $0xffff  }
0x222: {  	v27 =	vor.u32 v45, v27;
	v32 =	vor.u32 v32, v46;
	v29 =	vor.u32 v36, v29;
	v33 =	vld.idx.msk [tilespmem:v33+s4+$0x0], $0xffff  }
0x223: {  	v31 =	vand.u32 $0x380, v31;
	v30 =	vor.u32 v44, v30;
	v36 =	vand.u32 $0x7F, v41;
	[tilespmem:s24+$0x1D020] =	vst.add.f32.msk $0xffff, v26  }
0x224: {  	v35 =	vand.u32 $0x380, v35;
	v26 =	vand.u32 $0x380, v28;
	v28 =	vand.u32 $0x7F, v40;
	[tilespmem:s24+$0x1C030] =	vst.add.f32.msk $0xffff, v25  }
0x225: {  	v25 =	vor.u32 v36, v38;
	v28 =	vor.u32 v28, v34;
	v34 =	vand.u32 $0x7F, v39;
	[tilespmem:s23+$0x1D030] =	vst.add.f32.msk $0xffff, v24;
	s23 =	smov.u32 s24;
	s24 =	smov.u32 s25;
	s25 =	smov.u32 s30  }
0x226: {  	v26 =	vor.u32 v26, v29;
	v24 =	vor.u32 v31, v27;
	v27 =	vor.u32 v34, v32  }
0x227: {  	v30 =	vor.u32 v35, v30;
	v31 =	vshrl.u32 v22, $0x10;
	v29 =	vsub.f32 v20, v37  }
0x228: {  	s28 =	sadd.s32 $0x40, s28;
	v34 =	vshrl.u32 v21, $0x10;
	v32 =	vsub.f32 v20, v33;
	v33 =	vshrl.u32 v22, $0xD  }
0x229: {  	v35 =	vshrl.u32 v21, $0xD;
	v36 =	vshrl.u32 v23, $0x10;
	s30 =	sand.u32 $0xFC0, s28;
	v29 =	vmul.f32 v29, v29  }
0x22a: {  	v38 =	vshrl.u32 v23, $0xD;
	s31 =	sor.u32 $0x1A000, s30;
	v37 =	vand.u32 $0xF800, v31;
	v32 =	vmul.f32 v32, v32;
	v25 =	vld.idx.msk [tilespmem:v25+s4+$0x0], $0xffff  }
0x22b: {  	v35 =	vand.u32 $0x400, v35;
	[tilespmem:s31+$0x0] =	vst.add.f32.msk $0xffff, v29;
	s31 =	sor.u32 $0x1B000, s30;
	v29 =	vand.u32 $0x400, v33;
	v33 =	vand.u32 $0xF800, v34  }
0x22c: {  	v39 =	vand.u32 $0xF800, v36;
	v38 =	vand.u32 $0x400, v38;
	[tilespmem:s31+$0x0] =	vst.add.f32.msk $0xffff, v32;
	v32 =	vshll.u32 v22, $0x3  }
0x22d: {  	v42 =	vshll.u32 v21, $0x3;
	v43 =	vshrl.u32 v21, $0x11;
	v41 =	vshrl.u32 v22, $0x11;
	v40 =	vld [tilespmem:s25+$0x13000]  }
0x22e: {  	v44 =	vshrl.u32 v23, $0x11;
	v29 =	vor.u32 v29, v37;
	v37 =	vshll.u32 v23, $0x3;
	v24 =	vld.idx.msk [tilespmem:v24+s4+$0x0], $0xffff  }
0x22f: {  	v33 =	vor.u32 v35, v33;
	v35 =	vor.u32 v38, v39;
	v32 =	vand.u32 $0x400, v32;
	v26 =	vld.idx.msk [tilespmem:v26+s4+$0x0], $0xffff  }
0x230: {  	v38 =	vand.u32 $0x380, v41;
	v39 =	vand.u32 $0x400, v42;
	v25 =	vsub.f32 v7, v25;
	v28 =	vld.idx.msk [tilespmem:v28+s4+$0x0], $0xffff  }
0x231: {  	v41 =	vand.u32 $0x380, v43;
	v42 =	vand.u32 $0x380, v44;
	v37 =	vand.u32 $0x400, v37;
	v30 =	vld.idx.msk [tilespmem:v30+s4+$0x0], $0xffff  }
0x232: {  	v44 =	vshrl.u32 v22, $0x1;
	v25 =	vmul.f32 v25, v25;
	v43 =	vshrl.u32 v40, $0x1;
	v27 =	vld.idx.msk [tilespmem:v27+s4+$0x0], $0xffff  }
0x233: {  	v45 =	vshll.u32 v40, $0x3;
	v46 =	vand.u32 $0xF87F, v40;
	v47 =	vshrl.u32 v40, $0x11  }
0x234: {  	v48 =	vshrl.u32 v40, $0x10;
	v40 =	vshrl.u32 v40, $0xD;
	v43 =	vand.u32 $0x380, v43;
	[tilespmem:s25+$0x17010] =	vst.add.f32.msk $0xffff, v25  }
0x235: {  	v40 =	vand.u32 $0x400, v40;
	v25 =	vand.u32 $0x400, v45;
	v45 =	vand.u32 $0xF800, v48  }
0x236: {  	v25 =	vor.u32 v25, v46;
	v40 =	vor.u32 v40, v45;
	v45 =	vand.u32 $0x380, v47  }
0x237: {  	v25 =	vor.u32 v43, v25;
	v43 =	vand.u32 $0x7F, v48;
	v40 =	vor.u32 v45, v40  }
0x238: {  	v24 =	vsub.f32 v7, v24;
	v26 =	vsub.f32 v5, v26;
	v40 =	vor.u32 v43, v40  }
0x239: {  	v22 =	vand.u32 $0xF87F, v22;
	v28 =	vsub.f32 v5, v28;
	v30 =	vsub.f32 v6, v30  }
0x23a: {  	v24 =	vmul.f32 v24, v24;
	v26 =	vmul.f32 v26, v26;
	v27 =	vsub.f32 v6, v27  }
0x23b: {  	v28 =	vmul.f32 v28, v28;
	v43 =	vshrl.u32 v21, $0x1;
	v30 =	vmul.f32 v30, v30  }
0x23c: {  	v45 =	vshrl.u32 v23, $0x1;
	v21 =	vand.u32 $0xF87F, v21;
	v27 =	vmul.f32 v27, v27;
	v25 =	vld.idx.msk [tilespmem:v25+s4+$0x0], $0xffff  }
0x23d: {  	v29 =	vor.u32 v38, v29;
	v33 =	vor.u32 v41, v33;
	v23 =	vand.u32 $0xF87F, v23;
	v40 =	vld.idx.msk [tilespmem:v40+s4+$0x0], $0xffff  }
0x23e: {  	v22 =	vor.u32 v32, v22;
	v21 =	vor.u32 v39, v21;
	[tilespmem:s25+$0x16010] =	vst.add.f32.msk $0xffff, v24;
	v24 =	vor.u32 v42, v35  }
0x23f: {  	v31 =	vand.u32 $0x7F, v31;
	v32 =	vand.u32 $0x380, v44;
	v23 =	vor.u32 v37, v23;
	[tilespmem:s25+$0x16020] =	vst.add.f32.msk $0xffff, v26  }
0x240: {  	v26 =	vand.u32 $0x380, v43;
	[tilespmem:s25+$0x17020] =	vst.add.f32.msk $0xffff, v28;
	v28 =	vand.u32 $0x7F, v34;
	v34 =	vand.u32 $0x380, v45  }
0x241: {  	v29 =	vor.u32 v31, v29;
	v28 =	vor.u32 v28, v33;
	[tilespmem:s25+$0x16030] =	vst.add.f32.msk $0xffff, v30;
	v30 =	vand.u32 $0x7F, v36  }
0x242: {  	v22 =	vor.u32 v32, v22;
	v25 =	vsub.f32 v20, v25;
	[tilespmem:s25+$0x17030] =	vst.add.f32.msk $0xffff, v27;
	v24 =	vor.u32 v30, v24  }
0x243: {  	v21 =	vor.u32 v26, v21;
	v23 =	vor.u32 v34, v23;
	v20 =	vsub.f32 v20, v40  }
0x244: {  	v26 =	vshrl.u32 v17, $0x10;
	v27 =	vshrl.u32 v17, $0xD;
	v25 =	vmul.f32 v25, v25  }
0x245: {  	s31 =	sor.u32 $0x1C000, s30;
	v31 =	vshrl.u32 v18, $0xD;
	v30 =	vshrl.u32 v18, $0x10;
	v20 =	vmul.f32 v20, v20  }
0x246: {  	s30 =	sor.u32 $0x1D000, s30;
	v32 =	vshrl.u32 v19, $0x10;
	v33 =	vshrl.u32 v19, $0xD;
	[tilespmem:s31+$0x0] =	vst.add.f32.msk $0xffff, v25;
	v25 =	vand.u32 $0xF800, v26  }
0x247: {  	v31 =	vand.u32 $0x400, v31;
	[tilespmem:s30+$0x0] =	vst.add.f32.msk $0xffff, v20;
	v20 =	vand.u32 $0x400, v27;
	v27 =	vand.u32 $0xF800, v30  }
0x248: {  	v35 =	vand.u32 $0xF800, v32;
	v34 =	vshll.u32 v17, $0x3;
	v33 =	vand.u32 $0x400, v33;
	v22 =	vld.idx.msk [tilespmem:v22+s4+$0x0], $0xffff  }
0x249: {  	v38 =	vshrl.u32 v18, $0x11;
	v37 =	vshll.u32 v18, $0x3;
	v36 =	vshrl.u32 v17, $0x11;
	v29 =	vld.idx.msk [tilespmem:v29+s4+$0x0], $0xffff  }
0x24a: {  	v39 =	vshrl.u32 v19, $0x11;
	v20 =	vor.u32 v20, v25;
	v25 =	vshll.u32 v19, $0x3;
	v21 =	vld.idx.msk [tilespmem:v21+s4+$0x0], $0xffff  }
0x24b: {  	v34 =	vand.u32 $0x400, v34;
	v27 =	vor.u32 v31, v27;
	v31 =	vor.u32 v33, v35;
	v28 =	vld.idx.msk [tilespmem:v28+s4+$0x0], $0xffff  }
0x24c: {  	v33 =	vand.u32 $0x380, v36;
	v35 =	vand.u32 $0x400, v37;
	v36 =	vand.u32 $0x380, v38;
	v23 =	vld.idx.msk [tilespmem:v23+s4+$0x0], $0xffff  }
0x24d: {  	v37 =	vshrl.u32 v17, $0x1;
	v38 =	vand.u32 $0x380, v39;
	v25 =	vand.u32 $0x400, v25;
	v24 =	vld.idx.msk [tilespmem:v24+s4+$0x0], $0xffff  }
0x24e: {  	v17 =	vand.u32 $0xF87F, v17;
	v39 =	vshrl.u32 v18, $0x1;
	v22 =	vsub.f32 v7, v22  }
0x24f: {  	v40 =	vshrl.u32 v19, $0x1;
	v18 =	vand.u32 $0xF87F, v18;
	v29 =	vsub.f32 v7, v29  }
0x250: {  	v19 =	vand.u32 $0xF87F, v19;
	v22 =	vmul.f32 v22, v22;
	v21 =	vsub.f32 v5, v21  }
0x251: {  	v20 =	vor.u32 v33, v20;
	v29 =	vmul.f32 v29, v29;
	v28 =	vsub.f32 v5, v28  }
0x252: {  	v21 =	vmul.f32 v21, v21;
	v23 =	vsub.f32 v6, v23;
	[tilespmem:s25+$0x18010] =	vst.add.f32.msk $0xffff, v22;
	v22 =	vor.u32 v36, v27  }
0x253: {  	v27 =	vmul.f32 v28, v28;
	v24 =	vsub.f32 v6, v24;
	v28 =	vor.u32 v38, v31;
	[tilespmem:s25+$0x19010] =	vst.add.f32.msk $0xffff, v29  }
0x254: {  	v17 =	vor.u32 v34, v17;
	v18 =	vor.u32 v35, v18;
	[tilespmem:s25+$0x18020] =	vst.add.f32.msk $0xffff, v21;
	v21 =	vmul.f32 v23, v23  }
0x255: {  	v19 =	vor.u32 v25, v19;
	v23 =	vand.u32 $0x380, v37;
	v24 =	vmul.f32 v24, v24;
	[tilespmem:s25+$0x19020] =	vst.add.f32.msk $0xffff, v27  }
0x256: {  	v25 =	vand.u32 $0x7F, v26;
	v26 =	vand.u32 $0x380, v39;
	v27 =	vand.u32 $0x7F, v30;
	[tilespmem:s25+$0x18030] =	vst.add.f32.msk $0xffff, v21  }
0x257: {  	v20 =	vor.u32 v25, v20;
	v21 =	vand.u32 $0x380, v40;
	[tilespmem:s25+$0x19030] =	vst.add.f32.msk $0xffff, v24;
	v24 =	vand.u32 $0x7F, v32  }
0x258: {  	v23 =	vor.u32 v23, v17;
	v22 =	vor.u32 v27, v22;
	v24 =	vor.u32 v24, v28  }
0x259: {  	v25 =	vshrl.u32 v14, $0x10;
	v18 =	vor.u32 v26, v18;
	v19 =	vor.u32 v21, v19  }
0x25a: {  	v26 =	vshrl.u32 v15, $0x10;
	v27 =	vshrl.u32 v15, $0xD;
	v21 =	vshrl.u32 v14, $0xD  }
0x25b: {  	v29 =	vshrl.u32 v16, $0xD;
	v17 =	vshrl.u32 v16, $0x10;
	v28 =	vand.u32 $0xF800, v25  }
0x25c: {  	v30 =	vand.u32 $0xF800, v26;
	v27 =	vand.u32 $0x400, v27;
	v21 =	vand.u32 $0x400, v21;
	v20 =	vld.idx.msk [tilespmem:v20+s4+$0x0], $0xffff  }
0x25d: {  	v31 =	vshll.u32 v14, $0x3;
	v29 =	vand.u32 $0x400, v29;
	v32 =	vand.u32 $0xF800, v17;
	v23 =	vld.idx.msk [tilespmem:v23+s4+$0x0], $0xffff  }
0x25e: {  	v33 =	vshrl.u32 v14, $0x11;
	v34 =	vshll.u32 v15, $0x3;
	v35 =	vshrl.u32 v15, $0x11;
	v18 =	vld.idx.msk [tilespmem:v18+s4+$0x0], $0xffff  }
0x25f: {  	v36 =	vshrl.u32 v16, $0x11;
	v21 =	vor.u32 v21, v28;
	v28 =	vshll.u32 v16, $0x3;
	v22 =	vld.idx.msk [tilespmem:v22+s4+$0x0], $0xffff  }
0x260: {  	v31 =	vand.u32 $0x400, v31;
	v27 =	vor.u32 v27, v30;
	v29 =	vor.u32 v29, v32;
	v19 =	vld.idx.msk [tilespmem:v19+s4+$0x0], $0xffff  }
0x261: {  	v30 =	vand.u32 $0x380, v33;
	v32 =	vand.u32 $0x400, v34;
	v33 =	vand.u32 $0x380, v35;
	v24 =	vld.idx.msk [tilespmem:v24+s4+$0x0], $0xffff  }
0x262: {  	v34 =	vand.u32 $0x380, v36;
	v28 =	vand.u32 $0x400, v28;
	v20 =	vsub.f32 v7, v20  }
0x263: {  	v35 =	vshrl.u32 v14, $0x1;
	v36 =	vand.u32 $0xF87F, v14;
	v23 =	vsub.f32 v7, v23  }
0x264: {  	v37 =	vshrl.u32 v15, $0x1;
	v14 =	vmul.f32 v20, v20;
	v18 =	vsub.f32 v5, v18  }
0x265: {  	v20 =	vmul.f32 v23, v23;
	v22 =	vsub.f32 v5, v22;
	v23 =	vand.u32 $0xF87F, v15  }
0x266: {  	v15 =	vmul.f32 v18, v18;
	v18 =	vsub.f32 v6, v19;
	[tilespmem:s25+$0x1B010] =	vst.add.f32.msk $0xffff, v14;
	v14 =	vshrl.u32 v16, $0x1  }
.Ltmp3:
0x267: {  	[tilespmem:s25+$0x1A010] =	vst.add.f32.msk $0xffff, v20;
	v20 =	vmul.f32 v22, v22;
	v22 =	vsub.f32 v6, v24;
	v24 =	vand.u32 $0xF87F, v16;
	(pc) =	sbr.rel @p0 .LBB2_9-.Ltmp3, $4  }
0x268: {  	v16 =	vor.u32 v30, v21;
	[tilespmem:s25+$0x1A020] =	vst.add.f32.msk $0xffff, v15;
	v15 =	vor.u32 v33, v27;
	v27 =	vmul.f32 v18, v18  }
0x269: {  	v19 =	vor.u32 v31, v36;
	v18 =	vor.u32 v34, v29;
	[tilespmem:s25+$0x1B020] =	vst.add.f32.msk $0xffff, v20;
	v30 =	vmul.f32 v22, v22  }
0x26a: {  	v21 =	vor.u32 v32, v23;
	v22 =	vand.u32 $0x380, v35;
	v20 =	vor.u32 v28, v24;
	[tilespmem:s25+$0x1A030] =	vst.add.f32.msk $0xffff, v27  }
0x26b: {  	s29 =	sadd.s32 $0x100, s29;
	v25 =	vand.u32 $0x7F, v25;
	v23 =	vand.u32 $0x380, v37;
	v24 =	vand.u32 $0x7F, v26;
	[tilespmem:s25+$0x1B030] =	vst.add.f32.msk $0xffff, v30  }
0x26c: {  	v8 =	vsub.f32 v1, v8  }
0x26d: {  	v19 =	vor.u32 v22, v19;
	v1 =	vsub.f32 v1, v9;
	v4 =	vmul.f32 v4, v4  }
0x26e: {  	v16 =	vor.u32 v25, v16;
	v8 =	vmul.f32 v8, v8  }
0x26f: {  	v21 =	vor.u32 v23, v21;
	v1 =	vmul.f32 v1, v1;
	[tilespmem:s23+$0x1D030] =	vst.add.f32.msk $0xffff, v4  }
0x270: {  	v14 =	vand.u32 $0x380, v14;
	v15 =	vor.u32 v24, v15;
	[tilespmem:s24+$0x1C010] =	vst.add.f32.msk $0xffff, v8  }
0x271: {  	v14 =	vor.u32 v14, v20;
	[tilespmem:s24+$0x1D010] =	vst.add.f32.msk $0xffff, v1  }
0x272: {  	v17 =	vand.u32 $0x7F, v17;
	v56 =	vld.idx.msk [tilespmem:v19+s4+$0x0], $0xffff  }
0x273: {  	v10 =	vsub.f32 v3, v10;
	v3 =	vsub.f32 v3, v11;
	v17 =	vor.u32 v17, v18;
	v16 =	vld.idx.msk [tilespmem:v16+s4+$0x0], $0xffff  }
0x274: {  	v57 =	vld.idx.msk [tilespmem:v21+s4+$0x0], $0xffff  }
0x275: {  	v13 =	vsub.f32 v2, v13;
	v3 =	vmul.f32 v3, v3;
	v58 =	vld.idx.msk [tilespmem:v15+s4+$0x0], $0xffff  }
0x276: {  	v14 =	vld.idx.msk [tilespmem:v14+s4+$0x0], $0xffff  }
0x277: {  	v1 =	vmul.f32 v13, v13;
	[tilespmem:s24+$0x1D020] =	vst.add.f32.msk $0xffff, v3;
	v60 =	vsub.f32 v7, v56  }
0x278: {  	v10 =	vmul.f32 v10, v10;
	v59 =	vld.idx.msk [tilespmem:v17+s4+$0x0], $0xffff;
	v3 =	vsub.f32 v7, v16  }
0x279: {  	[tilespmem:s24+$0x1C030] =	vst.add.f32.msk $0xffff, v1;
	v1 =	vsub.f32 v5, v57;
	v61 =	vmul.f32 v60, v60  }
0x27a: {  	[tilespmem:s24+$0x1C020] =	vst.add.f32.msk $0xffff, v10;
	v62 =	vsub.f32 v5, v58;
	v3 =	vmul.f32 v3, v3  }
0x27b: {  	s22 =	sadd.s32 $0x1, s22;
	v63 =	vsub.f32 v6, v14;
	v1 =	vmul.f32 v1, v1;
	[tilespmem:s25+$0x1C010] =	vst.add.f32.msk $0xffff, v61  }
0x27c: {  	v2 =	vsub.f32 v2, v12;
	p0 =	sne.s32 s22, $0x18;
	v4 =	vmul.f32 v62, v62;
	[tilespmem:s25+$0x1D010] =	vst.add.f32.msk $0xffff, v3  }
.Ltmp4:
0x27d: {  	v5 =	vmul.f32 v63, v63;
	v3 =	vsub.f32 v6, v59;
	[tilespmem:s25+$0x1C020] =	vst.add.f32.msk $0xffff, v1;
	(pc) =	sbr.rel @p0 .LBB2_6-.Ltmp4, $4  }
0x27e: {  	v1 =	vmul.f32 v2, v2;
	[tilespmem:s25+$0x1D020] =	vst.add.f32.msk $0xffff, v4  }
0x27f: {  	[tilespmem:s25+$0x1C030] =	vst.add.f32.msk $0xffff, v5;
	v2 =	vmul.f32 v3, v3  }
0x280: {  	[tilespmem:s24+$0x1D030] =	vst.add.f32.msk $0xffff, v1  }
0x281: {  	[tilespmem:s25+$0x1D030] =	vst.add.f32.msk $0xffff, v2  }
0x282: {  	[hbm4b:s10+s13] =	stream.strided.scatter [tilespmem:s19], [sflag:$0x1], $0x1000, s14, s13, $0x38;
	[tilespmem:$0x1E000] =	vst v63  }
0x283: {  	s21 =	sadd.s32 $0x1, s21;
	_ =	swait.ge [sflag:s16], $0x1000  }
0x284: {  	p0 =	sne.s32 s21, s12;
	[sflag:s16] =	ssyncset.done $0x0  }
.Ltmp5:
0x285: {  	[sflag:s16] =	ssyncadd.s32 $0xFFFFF000;
	(pc) =	sbr.rel @p0 .LBB2_1-.Ltmp5, $4  }
0x286: {  	[hbm4b:s11+s13] =	stream.strided.scatter [tilespmem:s20], [sflag:$0x1], $0x8000, s14, s13, $0x38;
	[tilespmem:$0x1E000] =	vst v63  }
0x287: {  	_ =	swait.ge [sflag:s16], $0x8000  }
0x288: {  	[sflag:s16] =	ssyncset.done $0x0  }
0x289: {  	[sflag:s16] =	ssyncadd.s32 $0xFFFF8000  }
0x28a: {  	_ =	sfence.sel $0x180000  }
0x28b: {  	[bflag:$0x0] =	sbarrier.arrive $0xFFFF  }
0x28c: {  	p0 =	sne.s32 s2, $0x0;
	_ =	strace $0x90000047  }
0x28d: {  	s0 =	sadd.s32 @!p0 $0x100000, s0;
	[bflag:$0x2] =	sbarrier.arrive $0xFFFF  }
0x28e: {  	[sflag:s0] =	ssyncadd.tile.s32 @!p0 $0x1;
	_ =	shalt  }
.Lfunc_end2:
_tile_overlayer_lowered:
.L_overlay_start_2:
0x28f: {  	(tag) =	ssettag $0x2  }
0x290: {  	s0 =	rddreg [dreg:$0x0];
	s2 =	stileid.u32  }
0x291: {  	s1 =	rddreg [dreg:$0x1];
	p0 =	sne.s32 s2, $0x0  }
0x292: {  	s3 =	rddreg [dreg:$0x2];
	[bflag:$0x3] =	sbarrier.arrive $0xFFFF;
	s2 =	simm.s32 @!p0 $0x1C01  }
0x293: {  	[timem:s3], [sflag:s2] =	dma.local @!p0 [hbm:s0], s1  }
0x294: {  	s0 =	simm.s32 @!p0 $0x1  }
0x295: {  	_ =	swait.ge @!p0 [sflag:s0], s1  }
0x296: {  	s1 =	ssub.s32 @!p0 $0x0, s1;
	[sflag:s0] =	ssyncset.done @!p0 $0x0  }
0x297: {  	[sflag:s0] =	ssyncadd.s32 @!p0 s1  }
0x298: {  	[bflag:$0x3] =	sbarrier.arrive $0xFFFF  }
0x299: {  	_ =	shalt  }

</sc_bundles>
